<compile_context>
chip_gen: v7x
topology: tpu7x:2x2x1
jax: 0.10.2.dev20260603
libtpu: 0.0.44.dev20260713+nightly
codegen_flags: <defaults>
</compile_context>

<pallas_src>
import jax
import jax.numpy as jnp
from jax import lax
from jax.experimental import pallas as pl
from jax.experimental.pallas import tpu as pltpu
from jax.experimental.pallas import tpu_sc as plsc

H = 128
WD = 128
ROWS = H + 2
COLS = 144
L = 16
NCH = WD // L


def _sc_body(xp_hbm, op_hbm, out_hbm, w_v, op_v, comb_v, ktmp_v, stmp_v):
    c = lax.axis_index("c")
    s = lax.axis_index("s")

    @pl.when(jnp.logical_and(c == 0, s == 0))
    def _():
        pltpu.sync_copy(xp_hbm, w_v)
        pltpu.sync_copy(op_hbm, op_v)
        zero_i = jnp.zeros((L,), jnp.int32)
        one_i = jnp.ones((L,), jnp.int32)
        neg1_i = jnp.full((L,), -1, jnp.int32)
        one_f = jnp.ones((L,), jnp.float32)
        iota = lax.iota(jnp.int32, L)
        comb_v[pl.ds(0, L)] = zero_i
        pos_q = [iota + jnp.full((L,), q * L, jnp.int32) for q in range(NCH)]
        lane_q = [jnp.full((L,), q, jnp.int32) for q in range(NCH)]
        tot_idx = jnp.minimum(iota, jnp.full((L,), NCH - 1, jnp.int32)) * L \
            + jnp.full((L,), L - 1, jnp.int32)
        prev_lane = jnp.maximum(iota - one_i, zero_i)
        is_lane0 = iota == zero_i

        def row_body(row, carry_unused):
            rb = row * COLS
            kloc = [None] * NCH
            csum = [None] * NCH
            t0s = [None] * NCH
            for q in range(NCH):
                o = q * L
                N = w_v[pl.ds(rb - COLS + o + 1, L)]
                NW = w_v[pl.ds(rb - COLS + o, L)]
                NE = w_v[pl.ds(rb - COLS + o + 2, L)]
                b = w_v[pl.ds(rb + o + 1, L)]
                E = w_v[pl.ds(rb + o + 2, L)]
                S = w_v[pl.ds(rb + COLS + o + 1, L)]
                SW = w_v[pl.ds(rb + COLS + o, L)]
                SE = w_v[pl.ds(rb + COLS + o + 2, L)]

                K = one_f - (N + E + S) + NE * N * E + SE * S * E
                M = NW * N + SW * S - one_f
                sgn = one_f - b - b
                a0 = jnp.where(K == sgn, one_i, zero_i)
                a1 = jnp.where(K + M == sgn, one_i, zero_i)
                bi = b.astype(jnp.int32)
                t0 = plsc.load_gather(op_v, [a0 + a0 + bi])
                t1 = plsc.load_gather(op_v, [a1 + a1 + bi])

                is_const = t0 == t1
                d = jnp.where(is_const, zero_i, t0)
                kq = plsc.cummax(jnp.where(is_const, pos_q[q], neg1_i))
                sq = plsc.cumsum(d)
                ktmp_v[pl.ds(o, L)] = kq
                stmp_v[pl.ds(o, L)] = sq
                kloc[q], csum[q], t0s[q] = kq, sq, t0

            tmax = plsc.load_gather(ktmp_v, [tot_idx])
            tsum = plsc.load_gather(stmp_v, [tot_idx])
            pmax = plsc.cummax(tmax)
            psum = plsc.cumsum(tsum)
            gmax = pmax.at[prev_lane].get(mode="promise_in_bounds")
            gsum = psum.at[prev_lane].get(mode="promise_in_bounds")
            exc_max = jnp.where(is_lane0, neg1_i, gmax)
            exc_sum = jnp.where(is_lane0, zero_i, gsum)

            for q in range(NCH):
                o = q * L
                maxc = exc_max.at[lane_q[q]].get(mode="promise_in_bounds")
                sumc = exc_sum.at[lane_q[q]].get(mode="promise_in_bounds")
                kidx = jnp.maximum(kloc[q], maxc)
                xpar = (csum[q] + sumc) & one_i
                comb_v[pl.ds(o + 1, L)] = jnp.bitwise_xor(t0s[q], xpar)
                gath = plsc.load_gather(comb_v, [kidx + one_i])
                cbits = jnp.bitwise_xor(gath, xpar)
                w_v[pl.ds(rb + o + 1, L)] = cbits.astype(jnp.float32)
            return carry_unused

        lax.fori_loop(1, H + 1, row_body, jnp.int32(0))
        pltpu.sync_copy(w_v, out_hbm)


_mesh = plsc.VectorSubcoreMesh(core_axis_name="c", subcore_axis_name="s")

_sc_call = pl.kernel(
    _sc_body,
    out_type=jax.ShapeDtypeStruct((ROWS * COLS,), jnp.float32),
    mesh=_mesh,
    scratch_types=[
        pltpu.VMEM((ROWS * COLS,), jnp.float32),
        pltpu.VMEM((L,), jnp.int32),
        pltpu.VMEM((COLS,), jnp.int32),
        pltpu.VMEM((WD,), jnp.int32),
        pltpu.VMEM((WD,), jnp.int32),
    ],
    compiler_params=pltpu.CompilerParams(needs_layout_passes=False),
)


@jax.jit
def kernel(x, operation):
    xp = jnp.zeros((ROWS, COLS), jnp.float32)
    xp = xp.at[1:H + 1, 1:WD + 1].set(x[0])
    opi = jnp.zeros((L,), jnp.int32).at[:4].set(operation.astype(jnp.int32))
    out = _sc_call(xp.reshape(ROWS * COLS), opi)
    return out.reshape(ROWS, COLS)[1:H + 1, 1:WD + 1][None]

# --- scband reference (transcript-rebuilt; emitter-appended) ---
"""Pipeline reference for scband-interative-modifier-25898652795269 (READ-ONLY COPY).

The authoritative reference and input builder live on the scoring server;
editing this copy changes nothing except your own understanding.
"""

import jax, jax.numpy as jnp
import numpy as np

NEIGHBOR_TYPE = 1


def _euler_number(p):
    # Euler number of a 3x3 binary patch via Gray's bit-quad algorithm,
    # 4-connectivity: E4 = (Q1 - Q3 + 2*QD) / 4, counted on the zero-padded patch.
    pp = jnp.pad(p, 1)
    a = pp[:-1, :-1]
    b = pp[:-1, 1:]
    c = pp[1:, :-1]
    d = pp[1:, 1:]
    s = a + b + c + d
    Q1 = jnp.sum(s == 1).astype(jnp.float32)
    Q3 = jnp.sum(s == 3).astype(jnp.float32)
    QD = jnp.sum(((a == 1) & (d == 1) & (b == 0) & (c == 0))
                 | ((b == 1) & (c == 1) & (a == 0) & (d == 0))).astype(jnp.float32)
    return (Q1 - Q3 + 2.0 * QD) / 4.0


def setup_inputs(seed: int = 0) -> dict:
    key = jax.random.key(seed)
    k1, k2 = jax.random.split(key)
    x = jax.random.randint(k1, (1, 128, 128), 0, 2).astype(jnp.float32)
    operation = jax.random.randint(k2, (4,), 0, 2).astype(jnp.float32)
    return {"x": x, "operation": operation}


def reference(x, operation):
    B, H, W = x.shape
    xp = jnp.pad(x, ((0, 0), (1, 1), (1, 1)))  # F.pad constant 0
    steps = jnp.arange(H * W)

    def body(carry, t):
        i = t // W
        j = t % W
        patch = jax.lax.dynamic_slice(carry, (0, i, j), (1, 3, 3))[0]
        e_before = _euler_number(patch)
        patch_flip = patch.at[1, 1].set(1.0 - patch[1, 1])
        e_after = _euler_number(patch_flip)
        diff = e_after - e_before
        aij = (diff == NEIGHBOR_TYPE)
        bij = patch[1, 1] > 0.5
        # (not aij, not bij)->op[0]; (not aij, bij)->op[1]; (aij, not bij)->op[2]; (aij, bij)->op[3]
        sel = 2 * aij.astype(jnp.int32) + bij.astype(jnp.int32)
        target = operation[sel]
        carry = jax.lax.dynamic_update_slice(
            carry, target.reshape(1, 1, 1), (0, i + 1, j + 1))
        return carry, None

    xp, _ = jax.lax.scan(body, xp, steps)
    return xp[:, 1:-1, 1:-1]

if __name__ == "__main__":
    import jax
    _d = setup_inputs()
    print(jax.jit(kernel)(*tuple(_d.values())))

</pallas_src>

<mosaic_0001>
#map = affine_map<(d0, d1) -> (0)>
module attributes {stable_mosaic.version = 14 : i64} {
  func.func @_sc_body(%arg0: i32, %arg1: i32, %arg2: memref<18720xf32, #tpu.memory_space<hbm>>, %arg3: memref<16xi32, #tpu.memory_space<hbm>>, %arg4: memref<18720xf32, #tpu.memory_space<hbm>>, %arg5: memref<18720xf32, #tpu.memory_space<vmem>>, %arg6: memref<16xi32, #tpu.memory_space<vmem>>, %arg7: memref<144xi32, #tpu.memory_space<vmem>>, %arg8: memref<128xi32, #tpu.memory_space<vmem>>, %arg9: memref<128xi32, #tpu.memory_space<vmem>>) attributes {dimension_semantics = [#tpu.dimension_semantics<core_parallel>, #tpu.dimension_semantics<subcore_parallel>], iteration_bounds = array<i64: 2, 16>, scalar_prefetch = 0 : i64, scratch_operands = 5 : i64, tpu.core_type = #tpu.core_type<sc_vector_subcore>, window_params = [{transform_indices = #map}, {transform_indices = #map}, {transform_indices = #map}]} {
    %eq3A = arith.constant 0 : i32
    %eq3A_0 = arith.cmpi eq, %arg0, %eq3A : i32
    %eq3A_1 = arith.constant 0 : i32
    %eq3A_2 = arith.cmpi eq, %arg1, %eq3A_1 : i32
    %and3A = arith.andi %eq3A_0, %eq3A_2 : i1
    %convert_element_type3A = arith.extui %and3A : i1 to i32
    %cond3A = arith.constant 0 : i32
    %cond3A_3 = arith.cmpi ne, %convert_element_type3A, %cond3A : i32
    scf.if %cond3A_3 {
      "tpu.region"() ({
        %run_scoped3A = tpu.sem_alloc : memref<!tpu.dma_semaphore, #tpu.memory_space<semaphore_mem>>
        tpu.enqueue_dma source(%arg2 : memref<18720xf32, #tpu.memory_space<hbm>>) target(%arg5 : memref<18720xf32, #tpu.memory_space<vmem>>) target_semaphore(%run_scoped3A : memref<!tpu.dma_semaphore, #tpu.memory_space<semaphore_mem>>)
        tpu.wait_dma2 semaphore(%run_scoped3A : memref<!tpu.dma_semaphore, #tpu.memory_space<semaphore_mem>>) src(%arg2 : memref<18720xf32, #tpu.memory_space<hbm>>) dst(%arg5 : memref<18720xf32, #tpu.memory_space<vmem>>)
        tpu.yield
      }) : () -> ()
      "tpu.region"() ({
        %run_scoped3A = tpu.sem_alloc : memref<!tpu.dma_semaphore, #tpu.memory_space<semaphore_mem>>
        tpu.enqueue_dma source(%arg3 : memref<16xi32, #tpu.memory_space<hbm>>) target(%arg6 : memref<16xi32, #tpu.memory_space<vmem>>) target_semaphore(%run_scoped3A : memref<!tpu.dma_semaphore, #tpu.memory_space<semaphore_mem>>)
        tpu.wait_dma2 semaphore(%run_scoped3A : memref<!tpu.dma_semaphore, #tpu.memory_space<semaphore_mem>>) src(%arg3 : memref<16xi32, #tpu.memory_space<hbm>>) dst(%arg6 : memref<16xi32, #tpu.memory_space<vmem>>)
        tpu.yield
      }) : () -> ()
      %broadcast_in_dim3A = arith.constant 0 : i32
      %broadcast_in_dim3A_4 = vector.broadcast %broadcast_in_dim3A : i32 to vector<16xi32>
      %broadcast_in_dim3A_5 = arith.constant 1 : i32
      %broadcast_in_dim3A_6 = vector.broadcast %broadcast_in_dim3A_5 : i32 to vector<16xi32>
      %broadcast_in_dim3A_7 = arith.constant -1 : i32
      %broadcast_in_dim3A_8 = vector.broadcast %broadcast_in_dim3A_7 : i32 to vector<16xi32>
      %broadcast_in_dim3A_9 = arith.constant 1.000000e+00 : f32
      %broadcast_in_dim3A_10 = vector.broadcast %broadcast_in_dim3A_9 : f32 to vector<16xf32>
      %iota3A = tpu.iota {dimensions = array<i32: 0>} : vector<16xi32>
      %swap3A = arith.constant 0 : index
      %swap3A_11 = tpu.vector_load %arg7[%swap3A] {strides = array<i32>} : memref<144xi32, #tpu.memory_space<vmem>>, vector<16xi32>,
      tpu.vector_store %arg7[%swap3A], %broadcast_in_dim3A_4 {strides = array<i32>} : memref<144xi32, #tpu.memory_space<vmem>>, vector<16xi32>,
      %broadcast_in_dim3A_12 = arith.constant 0 : i32
      %broadcast_in_dim3A_13 = vector.broadcast %broadcast_in_dim3A_12 : i32 to vector<16xi32>
      %add3A = arith.addi %iota3A, %broadcast_in_dim3A_13 : vector<16xi32>
      %broadcast_in_dim3A_14 = arith.constant 16 : i32
      %broadcast_in_dim3A_15 = vector.broadcast %broadcast_in_dim3A_14 : i32 to vector<16xi32>
      %add3A_16 = arith.addi %iota3A, %broadcast_in_dim3A_15 : vector<16xi32>
      %broadcast_in_dim3A_17 = arith.constant 32 : i32
      %broadcast_in_dim3A_18 = vector.broadcast %broadcast_in_dim3A_17 : i32 to vector<16xi32>
      %add3A_19 = arith.addi %iota3A, %broadcast_in_dim3A_18 : vector<16xi32>
      %broadcast_in_dim3A_20 = arith.constant 48 : i32
      %broadcast_in_dim3A_21 = vector.broadcast %broadcast_in_dim3A_20 : i32 to vector<16xi32>
      %add3A_22 = arith.addi %iota3A, %broadcast_in_dim3A_21 : vector<16xi32>
      %broadcast_in_dim3A_23 = arith.constant 64 : i32
      %broadcast_in_dim3A_24 = vector.broadcast %broadcast_in_dim3A_23 : i32 to vector<16xi32>
      %add3A_25 = arith.addi %iota3A, %broadcast_in_dim3A_24 : vector<16xi32>
      %broadcast_in_dim3A_26 = arith.constant 80 : i32
      %broadcast_in_dim3A_27 = vector.broadcast %broadcast_in_dim3A_26 : i32 to vector<16xi32>
      %add3A_28 = arith.addi %iota3A, %broadcast_in_dim3A_27 : vector<16xi32>
      %broadcast_in_dim3A_29 = arith.constant 96 : i32
      %broadcast_in_dim3A_30 = vector.broadcast %broadcast_in_dim3A_29 : i32 to vector<16xi32>
      %add3A_31 = arith.addi %iota3A, %broadcast_in_dim3A_30 : vector<16xi32>
      %broadcast_in_dim3A_32 = arith.constant 112 : i32
      %broadcast_in_dim3A_33 = vector.broadcast %broadcast_in_dim3A_32 : i32 to vector<16xi32>
      %add3A_34 = arith.addi %iota3A, %broadcast_in_dim3A_33 : vector<16xi32>
      %broadcast_in_dim3A_35 = arith.constant 0 : i32
      %broadcast_in_dim3A_36 = vector.broadcast %broadcast_in_dim3A_35 : i32 to vector<16xi32>
      %broadcast_in_dim3A_37 = arith.constant 1 : i32
      %broadcast_in_dim3A_38 = vector.broadcast %broadcast_in_dim3A_37 : i32 to vector<16xi32>
      %broadcast_in_dim3A_39 = arith.constant 2 : i32
      %broadcast_in_dim3A_40 = vector.broadcast %broadcast_in_dim3A_39 : i32 to vector<16xi32>
      %broadcast_in_dim3A_41 = arith.constant 3 : i32
      %broadcast_in_dim3A_42 = vector.broadcast %broadcast_in_dim3A_41 : i32 to vector<16xi32>
      %broadcast_in_dim3A_43 = arith.constant 4 : i32
      %broadcast_in_dim3A_44 = vector.broadcast %broadcast_in_dim3A_43 : i32 to vector<16xi32>
      %broadcast_in_dim3A_45 = arith.constant 5 : i32
      %broadcast_in_dim3A_46 = vector.broadcast %broadcast_in_dim3A_45 : i32 to vector<16xi32>
      %broadcast_in_dim3A_47 = arith.constant 6 : i32
      %broadcast_in_dim3A_48 = vector.broadcast %broadcast_in_dim3A_47 : i32 to vector<16xi32>
      %broadcast_in_dim3A_49 = arith.constant 7 : i32
      %broadcast_in_dim3A_50 = vector.broadcast %broadcast_in_dim3A_49 : i32 to vector<16xi32>
      %broadcast_in_dim3A_51 = arith.constant 7 : i32
      %broadcast_in_dim3A_52 = vector.broadcast %broadcast_in_dim3A_51 : i32 to vector<16xi32>
      %min3A = arith.minsi %iota3A, %broadcast_in_dim3A_52 : vector<16xi32>
      %mul3A = arith.constant 16 : i32
      %mul3A_53 = vector.broadcast %mul3A : i32 to vector<16xi32>
      %mul3A_54 = arith.muli %min3A, %mul3A_53 : vector<16xi32>
      %broadcast_in_dim3A_55 = arith.constant 15 : i32
      %broadcast_in_dim3A_56 = vector.broadcast %broadcast_in_dim3A_55 : i32 to vector<16xi32>
      %add3A_57 = arith.addi %mul3A_54, %broadcast_in_dim3A_56 : vector<16xi32>
      %sub3A = arith.subi %iota3A, %broadcast_in_dim3A_6 : vector<16xi32>
      %max3A = arith.maxsi %sub3A, %broadcast_in_dim3A_4 : vector<16xi32>
      %eq3A_58 = arith.cmpi eq, %iota3A, %broadcast_in_dim3A_4 : vector<16xi32>
      %scan3A = arith.constant 0 : i32
      %scan3A_59 = arith.constant 1 : i32
      %scan3A_60 = arith.constant 128 : i32
      %scan3A_61 = arith.addi %scan3A_59, %scan3A_60 : i32
      %scan3A_62 = arith.constant 1 : i32
      scf.for %scan3A_64 = %scan3A_59 to %scan3A_61 step %scan3A_62  : i32 {
        %mul3A_65 = arith.constant 144 : i32
        %mul3A_66 = arith.muli %scan3A_64, %mul3A_65 : i32
        %sub3A_67 = arith.constant 144 : i32
        %sub3A_68 = arith.subi %mul3A_66, %sub3A_67 : i32
        %add3A_69 = arith.constant 0 : i32
        %add3A_70 = arith.addi %sub3A_68, %add3A_69 : i32
        %add3A_71 = arith.constant 1 : i32
        %add3A_72 = arith.addi %add3A_70, %add3A_71 : i32
        %get3A = arith.index_cast %add3A_72 : i32 to index
        %get3A_73 = tpu.vector_load %arg5[%get3A] {strides = array<i32>} : memref<18720xf32, #tpu.memory_space<vmem>>, vector<16xf32>,
        %sub3A_74 = arith.constant 144 : i32
        %sub3A_75 = arith.subi %mul3A_66, %sub3A_74 : i32
        %add3A_76 = arith.constant 0 : i32
        %add3A_77 = arith.addi %sub3A_75, %add3A_76 : i32
        %get3A_78 = arith.index_cast %add3A_77 : i32 to index
        %get3A_79 = tpu.vector_load %arg5[%get3A_78] {strides = array<i32>} : memref<18720xf32, #tpu.memory_space<vmem>>, vector<16xf32>,
        %sub3A_80 = arith.constant 144 : i32
        %sub3A_81 = arith.subi %mul3A_66, %sub3A_80 : i32
        %add3A_82 = arith.constant 0 : i32
        %add3A_83 = arith.addi %sub3A_81, %add3A_82 : i32
        %add3A_84 = arith.constant 2 : i32
        %add3A_85 = arith.addi %add3A_83, %add3A_84 : i32
        %get3A_86 = arith.index_cast %add3A_85 : i32 to index
        %get3A_87 = tpu.vector_load %arg5[%get3A_86] {strides = array<i32>} : memref<18720xf32, #tpu.memory_space<vmem>>, vector<16xf32>,
        %add3A_88 = arith.constant 0 : i32
        %add3A_89 = arith.addi %mul3A_66, %add3A_88 : i32
        %add3A_90 = arith.constant 1 : i32
        %add3A_91 = arith.addi %add3A_89, %add3A_90 : i32
        %get3A_92 = arith.index_cast %add3A_91 : i32 to index
        %get3A_93 = tpu.vector_load %arg5[%get3A_92] {strides = array<i32>} : memref<18720xf32, #tpu.memory_space<vmem>>, vector<16xf32>,
        %add3A_94 = arith.constant 0 : i32
        %add3A_95 = arith.addi %mul3A_66, %add3A_94 : i32
        %add3A_96 = arith.constant 2 : i32
        %add3A_97 = arith.addi %add3A_95, %add3A_96 : i32
        %get3A_98 = arith.index_cast %add3A_97 : i32 to index
        %get3A_99 = tpu.vector_load %arg5[%get3A_98] {strides = array<i32>} : memref<18720xf32, #tpu.memory_space<vmem>>, vector<16xf32>,
        %add3A_100 = arith.constant 144 : i32
        %add3A_101 = arith.addi %mul3A_66, %add3A_100 : i32
        %add3A_102 = arith.constant 0 : i32
        %add3A_103 = arith.addi %add3A_101, %add3A_102 : i32
        %add3A_104 = arith.constant 1 : i32
        %add3A_105 = arith.addi %add3A_103, %add3A_104 : i32
        %get3A_106 = arith.index_cast %add3A_105 : i32 to index
        %get3A_107 = tpu.vector_load %arg5[%get3A_106] {strides = array<i32>} : memref<18720xf32, #tpu.memory_space<vmem>>, vector<16xf32>,
        %add3A_108 = arith.constant 144 : i32
        %add3A_109 = arith.addi %mul3A_66, %add3A_108 : i32
        %add3A_110 = arith.constant 0 : i32
        %add3A_111 = arith.addi %add3A_109, %add3A_110 : i32
        %get3A_112 = arith.index_cast %add3A_111 : i32 to index
        %get3A_113 = tpu.vector_load %arg5[%get3A_112] {strides = array<i32>} : memref<18720xf32, #tpu.memory_space<vmem>>, vector<16xf32>,
        %add3A_114 = arith.constant 144 : i32
        %add3A_115 = arith.addi %mul3A_66, %add3A_114 : i32
        %add3A_116 = arith.constant 0 : i32
        %add3A_117 = arith.addi %add3A_115, %add3A_116 : i32
        %add3A_118 = arith.constant 2 : i32
        %add3A_119 = arith.addi %add3A_117, %add3A_118 : i32
        %get3A_120 = arith.index_cast %add3A_119 : i32 to index
        %get3A_121 = tpu.vector_load %arg5[%get3A_120] {strides = array<i32>} : memref<18720xf32, #tpu.memory_space<vmem>>, vector<16xf32>,
        %add3A_122 = arith.addf %get3A_73, %get3A_99 : vector<16xf32>
        %add3A_123 = arith.addf %add3A_122, %get3A_107 : vector<16xf32>
        %sub3A_124 = arith.subf %broadcast_in_dim3A_10, %add3A_123 : vector<16xf32>
        %mul3A_125 = arith.mulf %get3A_87, %get3A_73 : vector<16xf32>
        %mul3A_126 = arith.mulf %mul3A_125, %get3A_99 : vector<16xf32>
        %add3A_127 = arith.addf %sub3A_124, %mul3A_126 : vector<16xf32>
        %mul3A_128 = arith.mulf %get3A_121, %get3A_107 : vector<16xf32>
        %mul3A_129 = arith.mulf %mul3A_128, %get3A_99 : vector<16xf32>
        %add3A_130 = arith.addf %add3A_127, %mul3A_129 : vector<16xf32>
        %mul3A_131 = arith.mulf %get3A_79, %get3A_73 : vector<16xf32>
        %mul3A_132 = arith.mulf %get3A_113, %get3A_107 : vector<16xf32>
        %add3A_133 = arith.addf %mul3A_131, %mul3A_132 : vector<16xf32>
        %sub3A_134 = arith.subf %add3A_133, %broadcast_in_dim3A_10 : vector<16xf32>
        %sub3A_135 = arith.subf %broadcast_in_dim3A_10, %get3A_93 : vector<16xf32>
        %sub3A_136 = arith.subf %sub3A_135, %get3A_93 : vector<16xf32>
        %eq3A_137 = arith.cmpf oeq, %add3A_130, %sub3A_136 : vector<16xf32>
        %select_n3A = arith.select %eq3A_137, %broadcast_in_dim3A_6, %broadcast_in_dim3A_4 : vector<16xi1>, vector<16xi32>
        %add3A_138 = arith.addf %add3A_130, %sub3A_134 : vector<16xf32>
        %eq3A_139 = arith.cmpf oeq, %add3A_138, %sub3A_136 : vector<16xf32>
        %select_n3A_140 = arith.select %eq3A_139, %broadcast_in_dim3A_6, %broadcast_in_dim3A_4 : vector<16xi1>, vector<16xi32>
        %convert_element_type3A_141 = arith.fptosi %get3A_93 : vector<16xf32> to vector<16xi32>
        %add3A_142 = arith.addi %select_n3A, %select_n3A : vector<16xi32>
        %add3A_143 = arith.addi %add3A_142, %convert_element_type3A_141 : vector<16xi32>
        %gather3A = tpu.vector_load_idx %arg6[%add3A_143] : memref<16xi32, #tpu.memory_space<vmem>>[vector<16xi32>], vector<16xi32>,
        %add3A_144 = arith.addi %select_n3A_140, %select_n3A_140 : vector<16xi32>
        %add3A_145 = arith.addi %add3A_144, %convert_element_type3A_141 : vector<16xi32>
        %gather3A_146 = tpu.vector_load_idx %arg6[%add3A_145] : memref<16xi32, #tpu.memory_space<vmem>>[vector<16xi32>], vector<16xi32>,
        %eq3A_147 = arith.cmpi eq, %gather3A, %gather3A_146 : vector<16xi32>
        %select_n3A_148 = arith.select %eq3A_147, %broadcast_in_dim3A_4, %gather3A : vector<16xi1>, vector<16xi32>
        %select_n3A_149 = arith.select %eq3A_147, %add3A, %broadcast_in_dim3A_8 : vector<16xi1>, vector<16xi32>
        %broadcast_in_dim3A_150 = arith.constant true
        %broadcast_in_dim3A_151 = vector.broadcast %broadcast_in_dim3A_150 : i1 to vector<16xi1>
        %masked_cummax3A = arith.constant -2147483648 : i32
        %masked_cummax3A_152 = vector.broadcast %masked_cummax3A : i32 to vector<16xi32>
        %masked_cummax3A_153 = arith.xori %select_n3A_149, %masked_cummax3A_152 : vector<16xi32>
        %masked_cummax3A_154 = tpu.scan <max>, %masked_cummax3A_153 masked %broadcast_in_dim3A_151 : vector<16xi32>, vector<16xi1> -> vector<16xi32>
        %masked_cummax3A_155 = arith.xori %masked_cummax3A_154, %masked_cummax3A_152 : vector<16xi32>
        %broadcast_in_dim3A_156 = arith.constant true
        %broadcast_in_dim3A_157 = vector.broadcast %broadcast_in_dim3A_156 : i1 to vector<16xi1>
        %masked_cumsum3A = tpu.scan <sum>, %select_n3A_148 masked %broadcast_in_dim3A_157 : vector<16xi32>, vector<16xi1> -> vector<16xi32>
        %swap3A_158 = arith.constant 0 : index
        %swap3A_159 = tpu.vector_load %arg8[%swap3A_158] {strides = array<i32>} : memref<128xi32, #tpu.memory_space<vmem>>, vector<16xi32>,
        tpu.vector_store %arg8[%swap3A_158], %masked_cummax3A_155 {strides = array<i32>} : memref<128xi32, #tpu.memory_space<vmem>>, vector<16xi32>,
        %swap3A_160 = arith.constant 0 : index
        %swap3A_161 = tpu.vector_load %arg9[%swap3A_160] {strides = array<i32>} : memref<128xi32, #tpu.memory_space<vmem>>, vector<16xi32>,
        tpu.vector_store %arg9[%swap3A_160], %masked_cumsum3A {strides = array<i32>} : memref<128xi32, #tpu.memory_space<vmem>>, vector<16xi32>,
        %sub3A_162 = arith.constant 144 : i32
        %sub3A_163 = arith.subi %mul3A_66, %sub3A_162 : i32
        %add3A_164 = arith.constant 16 : i32
        %add3A_165 = arith.addi %sub3A_163, %add3A_164 : i32
        %add3A_166 = arith.constant 1 : i32
        %add3A_167 = arith.addi %add3A_165, %add3A_166 : i32
        %get3A_168 = arith.index_cast %add3A_167 : i32 to index
        %get3A_169 = tpu.vector_load %arg5[%get3A_168] {strides = array<i32>} : memref<18720xf32, #tpu.memory_space<vmem>>, vector<16xf32>,
        %sub3A_170 = arith.constant 144 : i32
        %sub3A_171 = arith.subi %mul3A_66, %sub3A_170 : i32
        %add3A_172 = arith.constant 16 : i32
        %add3A_173 = arith.addi %sub3A_171, %add3A_172 : i32
        %get3A_174 = arith.index_cast %add3A_173 : i32 to index
        %get3A_175 = tpu.vector_load %arg5[%get3A_174] {strides = array<i32>} : memref<18720xf32, #tpu.memory_space<vmem>>, vector<16xf32>,
        %sub3A_176 = arith.constant 144 : i32
        %sub3A_177 = arith.subi %mul3A_66, %sub3A_176 : i32
        %add3A_178 = arith.constant 16 : i32
        %add3A_179 = arith.addi %sub3A_177, %add3A_178 : i32
        %add3A_180 = arith.constant 2 : i32
        %add3A_181 = arith.addi %add3A_179, %add3A_180 : i32
        %get3A_182 = arith.index_cast %add3A_181 : i32 to index
        %get3A_183 = tpu.vector_load %arg5[%get3A_182] {strides = array<i32>} : memref<18720xf32, #tpu.memory_space<vmem>>, vector<16xf32>,
        %add3A_184 = arith.constant 16 : i32
        %add3A_185 = arith.addi %mul3A_66, %add3A_184 : i32
        %add3A_186 = arith.constant 1 : i32
        %add3A_187 = arith.addi %add3A_185, %add3A_186 : i32
        %get3A_188 = arith.index_cast %add3A_187 : i32 to index
        %get3A_189 = tpu.vector_load %arg5[%get3A_188] {strides = array<i32>} : memref<18720xf32, #tpu.memory_space<vmem>>, vector<16xf32>,
        %add3A_190 = arith.constant 16 : i32
        %add3A_191 = arith.addi %mul3A_66, %add3A_190 : i32
        %add3A_192 = arith.constant 2 : i32
        %add3A_193 = arith.addi %add3A_191, %add3A_192 : i32
        %get3A_194 = arith.index_cast %add3A_193 : i32 to index
        %get3A_195 = tpu.vector_load %arg5[%get3A_194] {strides = array<i32>} : memref<18720xf32, #tpu.memory_space<vmem>>, vector<16xf32>,
        %add3A_196 = arith.constant 144 : i32
        %add3A_197 = arith.addi %mul3A_66, %add3A_196 : i32
        %add3A_198 = arith.constant 16 : i32
        %add3A_199 = arith.addi %add3A_197, %add3A_198 : i32
        %add3A_200 = arith.constant 1 : i32
        %add3A_201 = arith.addi %add3A_199, %add3A_200 : i32
        %get3A_202 = arith.index_cast %add3A_201 : i32 to index
        %get3A_203 = tpu.vector_load %arg5[%get3A_202] {strides = array<i32>} : memref<18720xf32, #tpu.memory_space<vmem>>, vector<16xf32>,
        %add3A_204 = arith.constant 144 : i32
        %add3A_205 = arith.addi %mul3A_66, %add3A_204 : i32
        %add3A_206 = arith.constant 16 : i32
        %add3A_207 = arith.addi %add3A_205, %add3A_206 : i32
        %get3A_208 = arith.index_cast %add3A_207 : i32 to index
        %get3A_209 = tpu.vector_load %arg5[%get3A_208] {strides = array<i32>} : memref<18720xf32, #tpu.memory_space<vmem>>, vector<16xf32>,
        %add3A_210 = arith.constant 144 : i32
        %add3A_211 = arith.addi %mul3A_66, %add3A_210 : i32
        %add3A_212 = arith.constant 16 : i32
        %add3A_213 = arith.addi %add3A_211, %add3A_212 : i32
        %add3A_214 = arith.constant 2 : i32
        %add3A_215 = arith.addi %add3A_213, %add3A_214 : i32
        %get3A_216 = arith.index_cast %add3A_215 : i32 to index
        %get3A_217 = tpu.vector_load %arg5[%get3A_216] {strides = array<i32>} : memref<18720xf32, #tpu.memory_space<vmem>>, vector<16xf32>,
        %add3A_218 = arith.addf %get3A_169, %get3A_195 : vector<16xf32>
        %add3A_219 = arith.addf %add3A_218, %get3A_203 : vector<16xf32>
        %sub3A_220 = arith.subf %broadcast_in_dim3A_10, %add3A_219 : vector<16xf32>
        %mul3A_221 = arith.mulf %get3A_183, %get3A_169 : vector<16xf32>
        %mul3A_222 = arith.mulf %mul3A_221, %get3A_195 : vector<16xf32>
        %add3A_223 = arith.addf %sub3A_220, %mul3A_222 : vector<16xf32>
        %mul3A_224 = arith.mulf %get3A_217, %get3A_203 : vector<16xf32>
        %mul3A_225 = arith.mulf %mul3A_224, %get3A_195 : vector<16xf32>
        %add3A_226 = arith.addf %add3A_223, %mul3A_225 : vector<16xf32>
        %mul3A_227 = arith.mulf %get3A_175, %get3A_169 : vector<16xf32>
        %mul3A_228 = arith.mulf %get3A_209, %get3A_203 : vector<16xf32>
        %add3A_229 = arith.addf %mul3A_227, %mul3A_228 : vector<16xf32>
        %sub3A_230 = arith.subf %add3A_229, %broadcast_in_dim3A_10 : vector<16xf32>
        %sub3A_231 = arith.subf %broadcast_in_dim3A_10, %get3A_189 : vector<16xf32>
        %sub3A_232 = arith.subf %sub3A_231, %get3A_189 : vector<16xf32>
        %eq3A_233 = arith.cmpf oeq, %add3A_226, %sub3A_232 : vector<16xf32>
        %select_n3A_234 = arith.select %eq3A_233, %broadcast_in_dim3A_6, %broadcast_in_dim3A_4 : vector<16xi1>, vector<16xi32>
        %add3A_235 = arith.addf %add3A_226, %sub3A_230 : vector<16xf32>
        %eq3A_236 = arith.cmpf oeq, %add3A_235, %sub3A_232 : vector<16xf32>
        %select_n3A_237 = arith.select %eq3A_236, %broadcast_in_dim3A_6, %broadcast_in_dim3A_4 : vector<16xi1>, vector<16xi32>
        %convert_element_type3A_238 = arith.fptosi %get3A_189 : vector<16xf32> to vector<16xi32>
        %add3A_239 = arith.addi %select_n3A_234, %select_n3A_234 : vector<16xi32>
        %add3A_240 = arith.addi %add3A_239, %convert_element_type3A_238 : vector<16xi32>
        %gather3A_241 = tpu.vector_load_idx %arg6[%add3A_240] : memref<16xi32, #tpu.memory_space<vmem>>[vector<16xi32>], vector<16xi32>,
        %add3A_242 = arith.addi %select_n3A_237, %select_n3A_237 : vector<16xi32>
        %add3A_243 = arith.addi %add3A_242, %convert_element_type3A_238 : vector<16xi32>
        %gather3A_244 = tpu.vector_load_idx %arg6[%add3A_243] : memref<16xi32, #tpu.memory_space<vmem>>[vector<16xi32>], vector<16xi32>,
        %eq3A_245 = arith.cmpi eq, %gather3A_241, %gather3A_244 : vector<16xi32>
        %select_n3A_246 = arith.select %eq3A_245, %broadcast_in_dim3A_4, %gather3A_241 : vector<16xi1>, vector<16xi32>
        %select_n3A_247 = arith.select %eq3A_245, %add3A_16, %broadcast_in_dim3A_8 : vector<16xi1>, vector<16xi32>
        %broadcast_in_dim3A_248 = arith.constant true
        %broadcast_in_dim3A_249 = vector.broadcast %broadcast_in_dim3A_248 : i1 to vector<16xi1>
        %masked_cummax3A_250 = arith.constant -2147483648 : i32
        %masked_cummax3A_251 = vector.broadcast %masked_cummax3A_250 : i32 to vector<16xi32>
        %masked_cummax3A_252 = arith.xori %select_n3A_247, %masked_cummax3A_251 : vector<16xi32>
        %masked_cummax3A_253 = tpu.scan <max>, %masked_cummax3A_252 masked %broadcast_in_dim3A_249 : vector<16xi32>, vector<16xi1> -> vector<16xi32>
        %masked_cummax3A_254 = arith.xori %masked_cummax3A_253, %masked_cummax3A_251 : vector<16xi32>
        %broadcast_in_dim3A_255 = arith.constant true
        %broadcast_in_dim3A_256 = vector.broadcast %broadcast_in_dim3A_255 : i1 to vector<16xi1>
        %masked_cumsum3A_257 = tpu.scan <sum>, %select_n3A_246 masked %broadcast_in_dim3A_256 : vector<16xi32>, vector<16xi1> -> vector<16xi32>
        %swap3A_258 = arith.constant 16 : index
        %swap3A_259 = tpu.vector_load %arg8[%swap3A_258] {strides = array<i32>} : memref<128xi32, #tpu.memory_space<vmem>>, vector<16xi32>,
        tpu.vector_store %arg8[%swap3A_258], %masked_cummax3A_254 {strides = array<i32>} : memref<128xi32, #tpu.memory_space<vmem>>, vector<16xi32>,
        %swap3A_260 = arith.constant 16 : index
        %swap3A_261 = tpu.vector_load %arg9[%swap3A_260] {strides = array<i32>} : memref<128xi32, #tpu.memory_space<vmem>>, vector<16xi32>,
        tpu.vector_store %arg9[%swap3A_260], %masked_cumsum3A_257 {strides = array<i32>} : memref<128xi32, #tpu.memory_space<vmem>>, vector<16xi32>,
        %sub3A_262 = arith.constant 144 : i32
        %sub3A_263 = arith.subi %mul3A_66, %sub3A_262 : i32
        %add3A_264 = arith.constant 32 : i32
        %add3A_265 = arith.addi %sub3A_263, %add3A_264 : i32
        %add3A_266 = arith.constant 1 : i32
        %add3A_267 = arith.addi %add3A_265, %add3A_266 : i32
        %get3A_268 = arith.index_cast %add3A_267 : i32 to index
        %get3A_269 = tpu.vector_load %arg5[%get3A_268] {strides = array<i32>} : memref<18720xf32, #tpu.memory_space<vmem>>, vector<16xf32>,
        %sub3A_270 = arith.constant 144 : i32
        %sub3A_271 = arith.subi %mul3A_66, %sub3A_270 : i32
        %add3A_272 = arith.constant 32 : i32
        %add3A_273 = arith.addi %sub3A_271, %add3A_272 : i32
        %get3A_274 = arith.index_cast %add3A_273 : i32 to index
        %get3A_275 = tpu.vector_load %arg5[%get3A_274] {strides = array<i32>} : memref<18720xf32, #tpu.memory_space<vmem>>, vector<16xf32>,
        %sub3A_276 = arith.constant 144 : i32
        %sub3A_277 = arith.subi %mul3A_66, %sub3A_276 : i32
        %add3A_278 = arith.constant 32 : i32
        %add3A_279 = arith.addi %sub3A_277, %add3A_278 : i32
        %add3A_280 = arith.constant 2 : i32
        %add3A_281 = arith.addi %add3A_279, %add3A_280 : i32
        %get3A_282 = arith.index_cast %add3A_281 : i32 to index
        %get3A_283 = tpu.vector_load %arg5[%get3A_282] {strides = array<i32>} : memref<18720xf32, #tpu.memory_space<vmem>>, vector<16xf32>,
        %add3A_284 = arith.constant 32 : i32
        %add3A_285 = arith.addi %mul3A_66, %add3A_284 : i32
        %add3A_286 = arith.constant 1 : i32
        %add3A_287 = arith.addi %add3A_285, %add3A_286 : i32
        %get3A_288 = arith.index_cast %add3A_287 : i32 to index
        %get3A_289 = tpu.vector_load %arg5[%get3A_288] {strides = array<i32>} : memref<18720xf32, #tpu.memory_space<vmem>>, vector<16xf32>,
        %add3A_290 = arith.constant 32 : i32
        %add3A_291 = arith.addi %mul3A_66, %add3A_290 : i32
        %add3A_292 = arith.constant 2 : i32
        %add3A_293 = arith.addi %add3A_291, %add3A_292 : i32
        %get3A_294 = arith.index_cast %add3A_293 : i32 to index
        %get3A_295 = tpu.vector_load %arg5[%get3A_294] {strides = array<i32>} : memref<18720xf32, #tpu.memory_space<vmem>>, vector<16xf32>,
        %add3A_296 = arith.constant 144 : i32
        %add3A_297 = arith.addi %mul3A_66, %add3A_296 : i32
        %add3A_298 = arith.constant 32 : i32
        %add3A_299 = arith.addi %add3A_297, %add3A_298 : i32
        %add3A_300 = arith.constant 1 : i32
        %add3A_301 = arith.addi %add3A_299, %add3A_300 : i32
        %get3A_302 = arith.index_cast %add3A_301 : i32 to index
        %get3A_303 = tpu.vector_load %arg5[%get3A_302] {strides = array<i32>} : memref<18720xf32, #tpu.memory_space<vmem>>, vector<16xf32>,
        %add3A_304 = arith.constant 144 : i32
        %add3A_305 = arith.addi %mul3A_66, %add3A_304 : i32
        %add3A_306 = arith.constant 32 : i32
        %add3A_307 = arith.addi %add3A_305, %add3A_306 : i32
        %get3A_308 = arith.index_cast %add3A_307 : i32 to index
        %get3A_309 = tpu.vector_load %arg5[%get3A_308] {strides = array<i32>} : memref<18720xf32, #tpu.memory_space<vmem>>, vector<16xf32>,
        %add3A_310 = arith.constant 144 : i32
        %add3A_311 = arith.addi %mul3A_66, %add3A_310 : i32
        %add3A_312 = arith.constant 32 : i32
        %add3A_313 = arith.addi %add3A_311, %add3A_312 : i32
        %add3A_314 = arith.constant 2 : i32
        %add3A_315 = arith.addi %add3A_313, %add3A_314 : i32
        %get3A_316 = arith.index_cast %add3A_315 : i32 to index
        %get3A_317 = tpu.vector_load %arg5[%get3A_316] {strides = array<i32>} : memref<18720xf32, #tpu.memory_space<vmem>>, vector<16xf32>,
        %add3A_318 = arith.addf %get3A_269, %get3A_295 : vector<16xf32>
        %add3A_319 = arith.addf %add3A_318, %get3A_303 : vector<16xf32>
        %sub3A_320 = arith.subf %broadcast_in_dim3A_10, %add3A_319 : vector<16xf32>
        %mul3A_321 = arith.mulf %get3A_283, %get3A_269 : vector<16xf32>
        %mul3A_322 = arith.mulf %mul3A_321, %get3A_295 : vector<16xf32>
        %add3A_323 = arith.addf %sub3A_320, %mul3A_322 : vector<16xf32>
        %mul3A_324 = arith.mulf %get3A_317, %get3A_303 : vector<16xf32>
        %mul3A_325 = arith.mulf %mul3A_324, %get3A_295 : vector<16xf32>
        %add3A_326 = arith.addf %add3A_323, %mul3A_325 : vector<16xf32>
        %mul3A_327 = arith.mulf %get3A_275, %get3A_269 : vector<16xf32>
        %mul3A_328 = arith.mulf %get3A_309, %get3A_303 : vector<16xf32>
        %add3A_329 = arith.addf %mul3A_327, %mul3A_328 : vector<16xf32>
        %sub3A_330 = arith.subf %add3A_329, %broadcast_in_dim3A_10 : vector<16xf32>
        %sub3A_331 = arith.subf %broadcast_in_dim3A_10, %get3A_289 : vector<16xf32>
        %sub3A_332 = arith.subf %sub3A_331, %get3A_289 : vector<16xf32>
        %eq3A_333 = arith.cmpf oeq, %add3A_326, %sub3A_332 : vector<16xf32>
        %select_n3A_334 = arith.select %eq3A_333, %broadcast_in_dim3A_6, %broadcast_in_dim3A_4 : vector<16xi1>, vector<16xi32>
        %add3A_335 = arith.addf %add3A_326, %sub3A_330 : vector<16xf32>
        %eq3A_336 = arith.cmpf oeq, %add3A_335, %sub3A_332 : vector<16xf32>
        %select_n3A_337 = arith.select %eq3A_336, %broadcast_in_dim3A_6, %broadcast_in_dim3A_4 : vector<16xi1>, vector<16xi32>
        %convert_element_type3A_338 = arith.fptosi %get3A_289 : vector<16xf32> to vector<16xi32>
        %add3A_339 = arith.addi %select_n3A_334, %select_n3A_334 : vector<16xi32>
        %add3A_340 = arith.addi %add3A_339, %convert_element_type3A_338 : vector<16xi32>
        %gather3A_341 = tpu.vector_load_idx %arg6[%add3A_340] : memref<16xi32, #tpu.memory_space<vmem>>[vector<16xi32>], vector<16xi32>,
        %add3A_342 = arith.addi %select_n3A_337, %select_n3A_337 : vector<16xi32>
        %add3A_343 = arith.addi %add3A_342, %convert_element_type3A_338 : vector<16xi32>
        %gather3A_344 = tpu.vector_load_idx %arg6[%add3A_343] : memref<16xi32, #tpu.memory_space<vmem>>[vector<16xi32>], vector<16xi32>,
        %eq3A_345 = arith.cmpi eq, %gather3A_341, %gather3A_344 : vector<16xi32>
        %select_n3A_346 = arith.select %eq3A_345, %broadcast_in_dim3A_4, %gather3A_341 : vector<16xi1>, vector<16xi32>
        %select_n3A_347 = arith.select %eq3A_345, %add3A_19, %broadcast_in_dim3A_8 : vector<16xi1>, vector<16xi32>
        %broadcast_in_dim3A_348 = arith.constant true
        %broadcast_in_dim3A_349 = vector.broadcast %broadcast_in_dim3A_348 : i1 to vector<16xi1>
        %masked_cummax3A_350 = arith.constant -2147483648 : i32
        %masked_cummax3A_351 = vector.broadcast %masked_cummax3A_350 : i32 to vector<16xi32>
        %masked_cummax3A_352 = arith.xori %select_n3A_347, %masked_cummax3A_351 : vector<16xi32>
        %masked_cummax3A_353 = tpu.scan <max>, %masked_cummax3A_352 masked %broadcast_in_dim3A_349 : vector<16xi32>, vector<16xi1> -> vector<16xi32>
        %masked_cummax3A_354 = arith.xori %masked_cummax3A_353, %masked_cummax3A_351 : vector<16xi32>
        %broadcast_in_dim3A_355 = arith.constant true
        %broadcast_in_dim3A_356 = vector.broadcast %broadcast_in_dim3A_355 : i1 to vector<16xi1>
        %masked_cumsum3A_357 = tpu.scan <sum>, %select_n3A_346 masked %broadcast_in_dim3A_356 : vector<16xi32>, vector<16xi1> -> vector<16xi32>
        %swap3A_358 = arith.constant 32 : index
        %swap3A_359 = tpu.vector_load %arg8[%swap3A_358] {strides = array<i32>} : memref<128xi32, #tpu.memory_space<vmem>>, vector<16xi32>,
        tpu.vector_store %arg8[%swap3A_358], %masked_cummax3A_354 {strides = array<i32>} : memref<128xi32, #tpu.memory_space<vmem>>, vector<16xi32>,
        %swap3A_360 = arith.constant 32 : index
        %swap3A_361 = tpu.vector_load %arg9[%swap3A_360] {strides = array<i32>} : memref<128xi32, #tpu.memory_space<vmem>>, vector<16xi32>,
        tpu.vector_store %arg9[%swap3A_360], %masked_cumsum3A_357 {strides = array<i32>} : memref<128xi32, #tpu.memory_space<vmem>>, vector<16xi32>,
        %sub3A_362 = arith.constant 144 : i32
        %sub3A_363 = arith.subi %mul3A_66, %sub3A_362 : i32
        %add3A_364 = arith.constant 48 : i32
        %add3A_365 = arith.addi %sub3A_363, %add3A_364 : i32
        %add3A_366 = arith.constant 1 : i32
        %add3A_367 = arith.addi %add3A_365, %add3A_366 : i32
        %get3A_368 = arith.index_cast %add3A_367 : i32 to index
        %get3A_369 = tpu.vector_load %arg5[%get3A_368] {strides = array<i32>} : memref<18720xf32, #tpu.memory_space<vmem>>, vector<16xf32>,
        %sub3A_370 = arith.constant 144 : i32
        %sub3A_371 = arith.subi %mul3A_66, %sub3A_370 : i32
        %add3A_372 = arith.constant 48 : i32
        %add3A_373 = arith.addi %sub3A_371, %add3A_372 : i32
        %get3A_374 = arith.index_cast %add3A_373 : i32 to index
        %get3A_375 = tpu.vector_load %arg5[%get3A_374] {strides = array<i32>} : memref<18720xf32, #tpu.memory_space<vmem>>, vector<16xf32>,
        %sub3A_376 = arith.constant 144 : i32
        %sub3A_377 = arith.subi %mul3A_66, %sub3A_376 : i32
        %add3A_378 = arith.constant 48 : i32
        %add3A_379 = arith.addi %sub3A_377, %add3A_378 : i32
        %add3A_380 = arith.constant 2 : i32
        %add3A_381 = arith.addi %add3A_379, %add3A_380 : i32
        %get3A_382 = arith.index_cast %add3A_381 : i32 to index
        %get3A_383 = tpu.vector_load %arg5[%get3A_382] {strides = array<i32>} : memref<18720xf32, #tpu.memory_space<vmem>>, vector<16xf32>,
        %add3A_384 = arith.constant 48 : i32
        %add3A_385 = arith.addi %mul3A_66, %add3A_384 : i32
        %add3A_386 = arith.constant 1 : i32
        %add3A_387 = arith.addi %add3A_385, %add3A_386 : i32
        %get3A_388 = arith.index_cast %add3A_387 : i32 to index
        %get3A_389 = tpu.vector_load %arg5[%get3A_388] {strides = array<i32>} : memref<18720xf32, #tpu.memory_space<vmem>>, vector<16xf32>,
        %add3A_390 = arith.constant 48 : i32
        %add3A_391 = arith.addi %mul3A_66, %add3A_390 : i32
        %add3A_392 = arith.constant 2 : i32
        %add3A_393 = arith.addi %add3A_391, %add3A_392 : i32
        %get3A_394 = arith.index_cast %add3A_393 : i32 to index
        %get3A_395 = tpu.vector_load %arg5[%get3A_394] {strides = array<i32>} : memref<18720xf32, #tpu.memory_space<vmem>>, vector<16xf32>,
        %add3A_396 = arith.constant 144 : i32
        %add3A_397 = arith.addi %mul3A_66, %add3A_396 : i32
        %add3A_398 = arith.constant 48 : i32
        %add3A_399 = arith.addi %add3A_397, %add3A_398 : i32
        %add3A_400 = arith.constant 1 : i32
        %add3A_401 = arith.addi %add3A_399, %add3A_400 : i32
        %get3A_402 = arith.index_cast %add3A_401 : i32 to index
        %get3A_403 = tpu.vector_load %arg5[%get3A_402] {strides = array<i32>} : memref<18720xf32, #tpu.memory_space<vmem>>, vector<16xf32>,
        %add3A_404 = arith.constant 144 : i32
        %add3A_405 = arith.addi %mul3A_66, %add3A_404 : i32
        %add3A_406 = arith.constant 48 : i32
        %add3A_407 = arith.addi %add3A_405, %add3A_406 : i32
        %get3A_408 = arith.index_cast %add3A_407 : i32 to index
        %get3A_409 = tpu.vector_load %arg5[%get3A_408] {strides = array<i32>} : memref<18720xf32, #tpu.memory_space<vmem>>, vector<16xf32>,
        %add3A_410 = arith.constant 144 : i32
        %add3A_411 = arith.addi %mul3A_66, %add3A_410 : i32
        %add3A_412 = arith.constant 48 : i32
        %add3A_413 = arith.addi %add3A_411, %add3A_412 : i32
        %add3A_414 = arith.constant 2 : i32
        %add3A_415 = arith.addi %add3A_413, %add3A_414 : i32
        %get3A_416 = arith.index_cast %add3A_415 : i32 to index
        %get3A_417 = tpu.vector_load %arg5[%get3A_416] {strides = array<i32>} : memref<18720xf32, #tpu.memory_space<vmem>>, vector<16xf32>,
        %add3A_418 = arith.addf %get3A_369, %get3A_395 : vector<16xf32>
        %add3A_419 = arith.addf %add3A_418, %get3A_403 : vector<16xf32>
        %sub3A_420 = arith.subf %broadcast_in_dim3A_10, %add3A_419 : vector<16xf32>
        %mul3A_421 = arith.mulf %get3A_383, %get3A_369 : vector<16xf32>
        %mul3A_422 = arith.mulf %mul3A_421, %get3A_395 : vector<16xf32>
        %add3A_423 = arith.addf %sub3A_420, %mul3A_422 : vector<16xf32>
        %mul3A_424 = arith.mulf %get3A_417, %get3A_403 : vector<16xf32>
        %mul3A_425 = arith.mulf %mul3A_424, %get3A_395 : vector<16xf32>
        %add3A_426 = arith.addf %add3A_423, %mul3A_425 : vector<16xf32>
        %mul3A_427 = arith.mulf %get3A_375, %get3A_369 : vector<16xf32>
        %mul3A_428 = arith.mulf %get3A_409, %get3A_403 : vector<16xf32>
        %add3A_429 = arith.addf %mul3A_427, %mul3A_428 : vector<16xf32>
        %sub3A_430 = arith.subf %add3A_429, %broadcast_in_dim3A_10 : vector<16xf32>
        %sub3A_431 = arith.subf %broadcast_in_dim3A_10, %get3A_389 : vector<16xf32>
        %sub3A_432 = arith.subf %sub3A_431, %get3A_389 : vector<16xf32>
        %eq3A_433 = arith.cmpf oeq, %add3A_426, %sub3A_432 : vector<16xf32>
        %select_n3A_434 = arith.select %eq3A_433, %broadcast_in_dim3A_6, %broadcast_in_dim3A_4 : vector<16xi1>, vector<16xi32>
        %add3A_435 = arith.addf %add3A_426, %sub3A_430 : vector<16xf32>
        %eq3A_436 = arith.cmpf oeq, %add3A_435, %sub3A_432 : vector<16xf32>
        %select_n3A_437 = arith.select %eq3A_436, %broadcast_in_dim3A_6, %broadcast_in_dim3A_4 : vector<16xi1>, vector<16xi32>
        %convert_element_type3A_438 = arith.fptosi %get3A_389 : vector<16xf32> to vector<16xi32>
        %add3A_439 = arith.addi %select_n3A_434, %select_n3A_434 : vector<16xi32>
        %add3A_440 = arith.addi %add3A_439, %convert_element_type3A_438 : vector<16xi32>
        %gather3A_441 = tpu.vector_load_idx %arg6[%add3A_440] : memref<16xi32, #tpu.memory_space<vmem>>[vector<16xi32>], vector<16xi32>,
        %add3A_442 = arith.addi %select_n3A_437, %select_n3A_437 : vector<16xi32>
        %add3A_443 = arith.addi %add3A_442, %convert_element_type3A_438 : vector<16xi32>
        %gather3A_444 = tpu.vector_load_idx %arg6[%add3A_443] : memref<16xi32, #tpu.memory_space<vmem>>[vector<16xi32>], vector<16xi32>,
        %eq3A_445 = arith.cmpi eq, %gather3A_441, %gather3A_444 : vector<16xi32>
        %select_n3A_446 = arith.select %eq3A_445, %broadcast_in_dim3A_4, %gather3A_441 : vector<16xi1>, vector<16xi32>
        %select_n3A_447 = arith.select %eq3A_445, %add3A_22, %broadcast_in_dim3A_8 : vector<16xi1>, vector<16xi32>
        %broadcast_in_dim3A_448 = arith.constant true
        %broadcast_in_dim3A_449 = vector.broadcast %broadcast_in_dim3A_448 : i1 to vector<16xi1>
        %masked_cummax3A_450 = arith.constant -2147483648 : i32
        %masked_cummax3A_451 = vector.broadcast %masked_cummax3A_450 : i32 to vector<16xi32>
        %masked_cummax3A_452 = arith.xori %select_n3A_447, %masked_cummax3A_451 : vector<16xi32>
        %masked_cummax3A_453 = tpu.scan <max>, %masked_cummax3A_452 masked %broadcast_in_dim3A_449 : vector<16xi32>, vector<16xi1> -> vector<16xi32>
        %masked_cummax3A_454 = arith.xori %masked_cummax3A_453, %masked_cummax3A_451 : vector<16xi32>
        %broadcast_in_dim3A_455 = arith.constant true
        %broadcast_in_dim3A_456 = vector.broadcast %broadcast_in_dim3A_455 : i1 to vector<16xi1>
        %masked_cumsum3A_457 = tpu.scan <sum>, %select_n3A_446 masked %broadcast_in_dim3A_456 : vector<16xi32>, vector<16xi1> -> vector<16xi32>
        %swap3A_458 = arith.constant 48 : index
        %swap3A_459 = tpu.vector_load %arg8[%swap3A_458] {strides = array<i32>} : memref<128xi32, #tpu.memory_space<vmem>>, vector<16xi32>,
        tpu.vector_store %arg8[%swap3A_458], %masked_cummax3A_454 {strides = array<i32>} : memref<128xi32, #tpu.memory_space<vmem>>, vector<16xi32>,
        %swap3A_460 = arith.constant 48 : index
        %swap3A_461 = tpu.vector_load %arg9[%swap3A_460] {strides = array<i32>} : memref<128xi32, #tpu.memory_space<vmem>>, vector<16xi32>,
        tpu.vector_store %arg9[%swap3A_460], %masked_cumsum3A_457 {strides = array<i32>} : memref<128xi32, #tpu.memory_space<vmem>>, vector<16xi32>,
        %sub3A_462 = arith.constant 144 : i32
        %sub3A_463 = arith.subi %mul3A_66, %sub3A_462 : i32
        %add3A_464 = arith.constant 64 : i32
        %add3A_465 = arith.addi %sub3A_463, %add3A_464 : i32
        %add3A_466 = arith.constant 1 : i32
        %add3A_467 = arith.addi %add3A_465, %add3A_466 : i32
        %get3A_468 = arith.index_cast %add3A_467 : i32 to index
        %get3A_469 = tpu.vector_load %arg5[%get3A_468] {strides = array<i32>} : memref<18720xf32, #tpu.memory_space<vmem>>, vector<16xf32>,
        %sub3A_470 = arith.constant 144 : i32
        %sub3A_471 = arith.subi %mul3A_66, %sub3A_470 : i32
        %add3A_472 = arith.constant 64 : i32
        %add3A_473 = arith.addi %sub3A_471, %add3A_472 : i32
        %get3A_474 = arith.index_cast %add3A_473 : i32 to index
        %get3A_475 = tpu.vector_load %arg5[%get3A_474] {strides = array<i32>} : memref<18720xf32, #tpu.memory_space<vmem>>, vector<16xf32>,
        %sub3A_476 = arith.constant 144 : i32
        %sub3A_477 = arith.subi %mul3A_66, %sub3A_476 : i32
        %add3A_478 = arith.constant 64 : i32
        %add3A_479 = arith.addi %sub3A_477, %add3A_478 : i32
        %add3A_480 = arith.constant 2 : i32
        %add3A_481 = arith.addi %add3A_479, %add3A_480 : i32
        %get3A_482 = arith.index_cast %add3A_481 : i32 to index
        %get3A_483 = tpu.vector_load %arg5[%get3A_482] {strides = array<i32>} : memref<18720xf32, #tpu.memory_space<vmem>>, vector<16xf32>,
        %add3A_484 = arith.constant 64 : i32
        %add3A_485 = arith.addi %mul3A_66, %add3A_484 : i32
        %add3A_486 = arith.constant 1 : i32
        %add3A_487 = arith.addi %add3A_485, %add3A_486 : i32
        %get3A_488 = arith.index_cast %add3A_487 : i32 to index
        %get3A_489 = tpu.vector_load %arg5[%get3A_488] {strides = array<i32>} : memref<18720xf32, #tpu.memory_space<vmem>>, vector<16xf32>,
        %add3A_490 = arith.constant 64 : i32
        %add3A_491 = arith.addi %mul3A_66, %add3A_490 : i32
        %add3A_492 = arith.constant 2 : i32
        %add3A_493 = arith.addi %add3A_491, %add3A_492 : i32
        %get3A_494 = arith.index_cast %add3A_493 : i32 to index
        %get3A_495 = tpu.vector_load %arg5[%get3A_494] {strides = array<i32>} : memref<18720xf32, #tpu.memory_space<vmem>>, vector<16xf32>,
        %add3A_496 = arith.constant 144 : i32
        %add3A_497 = arith.addi %mul3A_66, %add3A_496 : i32
        %add3A_498 = arith.constant 64 : i32
        %add3A_499 = arith.addi %add3A_497, %add3A_498 : i32
        %add3A_500 = arith.constant 1 : i32
        %add3A_501 = arith.addi %add3A_499, %add3A_500 : i32
        %get3A_502 = arith.index_cast %add3A_501 : i32 to index
        %get3A_503 = tpu.vector_load %arg5[%get3A_502] {strides = array<i32>} : memref<18720xf32, #tpu.memory_space<vmem>>, vector<16xf32>,
        %add3A_504 = arith.constant 144 : i32
        %add3A_505 = arith.addi %mul3A_66, %add3A_504 : i32
        %add3A_506 = arith.constant 64 : i32
        %add3A_507 = arith.addi %add3A_505, %add3A_506 : i32
        %get3A_508 = arith.index_cast %add3A_507 : i32 to index
        %get3A_509 = tpu.vector_load %arg5[%get3A_508] {strides = array<i32>} : memref<18720xf32, #tpu.memory_space<vmem>>, vector<16xf32>,
        %add3A_510 = arith.constant 144 : i32
        %add3A_511 = arith.addi %mul3A_66, %add3A_510 : i32
        %add3A_512 = arith.constant 64 : i32
        %add3A_513 = arith.addi %add3A_511, %add3A_512 : i32
        %add3A_514 = arith.constant 2 : i32
        %add3A_515 = arith.addi %add3A_513, %add3A_514 : i32
        %get3A_516 = arith.index_cast %add3A_515 : i32 to index
        %get3A_517 = tpu.vector_load %arg5[%get3A_516] {strides = array<i32>} : memref<18720xf32, #tpu.memory_space<vmem>>, vector<16xf32>,
        %add3A_518 = arith.addf %get3A_469, %get3A_495 : vector<16xf32>
        %add3A_519 = arith.addf %add3A_518, %get3A_503 : vector<16xf32>
        %sub3A_520 = arith.subf %broadcast_in_dim3A_10, %add3A_519 : vector<16xf32>
        %mul3A_521 = arith.mulf %get3A_483, %get3A_469 : vector<16xf32>
        %mul3A_522 = arith.mulf %mul3A_521, %get3A_495 : vector<16xf32>
        %add3A_523 = arith.addf %sub3A_520, %mul3A_522 : vector<16xf32>
        %mul3A_524 = arith.mulf %get3A_517, %get3A_503 : vector<16xf32>
        %mul3A_525 = arith.mulf %mul3A_524, %get3A_495 : vector<16xf32>
        %add3A_526 = arith.addf %add3A_523, %mul3A_525 : vector<16xf32>
        %mul3A_527 = arith.mulf %get3A_475, %get3A_469 : vector<16xf32>
        %mul3A_528 = arith.mulf %get3A_509, %get3A_503 : vector<16xf32>
        %add3A_529 = arith.addf %mul3A_527, %mul3A_528 : vector<16xf32>
        %sub3A_530 = arith.subf %add3A_529, %broadcast_in_dim3A_10 : vector<16xf32>
        %sub3A_531 = arith.subf %broadcast_in_dim3A_10, %get3A_489 : vector<16xf32>
        %sub3A_532 = arith.subf %sub3A_531, %get3A_489 : vector<16xf32>
        %eq3A_533 = arith.cmpf oeq, %add3A_526, %sub3A_532 : vector<16xf32>
        %select_n3A_534 = arith.select %eq3A_533, %broadcast_in_dim3A_6, %broadcast_in_dim3A_4 : vector<16xi1>, vector<16xi32>
        %add3A_535 = arith.addf %add3A_526, %sub3A_530 : vector<16xf32>
        %eq3A_536 = arith.cmpf oeq, %add3A_535, %sub3A_532 : vector<16xf32>
        %select_n3A_537 = arith.select %eq3A_536, %broadcast_in_dim3A_6, %broadcast_in_dim3A_4 : vector<16xi1>, vector<16xi32>
        %convert_element_type3A_538 = arith.fptosi %get3A_489 : vector<16xf32> to vector<16xi32>
        %add3A_539 = arith.addi %select_n3A_534, %select_n3A_534 : vector<16xi32>
        %add3A_540 = arith.addi %add3A_539, %convert_element_type3A_538 : vector<16xi32>
        %gather3A_541 = tpu.vector_load_idx %arg6[%add3A_540] : memref<16xi32, #tpu.memory_space<vmem>>[vector<16xi32>], vector<16xi32>,
        %add3A_542 = arith.addi %select_n3A_537, %select_n3A_537 : vector<16xi32>
        %add3A_543 = arith.addi %add3A_542, %convert_element_type3A_538 : vector<16xi32>
        %gather3A_544 = tpu.vector_load_idx %arg6[%add3A_543] : memref<16xi32, #tpu.memory_space<vmem>>[vector<16xi32>], vector<16xi32>,
        %eq3A_545 = arith.cmpi eq, %gather3A_541, %gather3A_544 : vector<16xi32>
        %select_n3A_546 = arith.select %eq3A_545, %broadcast_in_dim3A_4, %gather3A_541 : vector<16xi1>, vector<16xi32>
        %select_n3A_547 = arith.select %eq3A_545, %add3A_25, %broadcast_in_dim3A_8 : vector<16xi1>, vector<16xi32>
        %broadcast_in_dim3A_548 = arith.constant true
        %broadcast_in_dim3A_549 = vector.broadcast %broadcast_in_dim3A_548 : i1 to vector<16xi1>
        %masked_cummax3A_550 = arith.constant -2147483648 : i32
        %masked_cummax3A_551 = vector.broadcast %masked_cummax3A_550 : i32 to vector<16xi32>
        %masked_cummax3A_552 = arith.xori %select_n3A_547, %masked_cummax3A_551 : vector<16xi32>
        %masked_cummax3A_553 = tpu.scan <max>, %masked_cummax3A_552 masked %broadcast_in_dim3A_549 : vector<16xi32>, vector<16xi1> -> vector<16xi32>
        %masked_cummax3A_554 = arith.xori %masked_cummax3A_553, %masked_cummax3A_551 : vector<16xi32>
        %broadcast_in_dim3A_555 = arith.constant true
        %broadcast_in_dim3A_556 = vector.broadcast %broadcast_in_dim3A_555 : i1 to vector<16xi1>
        %masked_cumsum3A_557 = tpu.scan <sum>, %select_n3A_546 masked %broadcast_in_dim3A_556 : vector<16xi32>, vector<16xi1> -> vector<16xi32>
        %swap3A_558 = arith.constant 64 : index
        %swap3A_559 = tpu.vector_load %arg8[%swap3A_558] {strides = array<i32>} : memref<128xi32, #tpu.memory_space<vmem>>, vector<16xi32>,
        tpu.vector_store %arg8[%swap3A_558], %masked_cummax3A_554 {strides = array<i32>} : memref<128xi32, #tpu.memory_space<vmem>>, vector<16xi32>,
        %swap3A_560 = arith.constant 64 : index
        %swap3A_561 = tpu.vector_load %arg9[%swap3A_560] {strides = array<i32>} : memref<128xi32, #tpu.memory_space<vmem>>, vector<16xi32>,
        tpu.vector_store %arg9[%swap3A_560], %masked_cumsum3A_557 {strides = array<i32>} : memref<128xi32, #tpu.memory_space<vmem>>, vector<16xi32>,
        %sub3A_562 = arith.constant 144 : i32
        %sub3A_563 = arith.subi %mul3A_66, %sub3A_562 : i32
        %add3A_564 = arith.constant 80 : i32
        %add3A_565 = arith.addi %sub3A_563, %add3A_564 : i32
        %add3A_566 = arith.constant 1 : i32
        %add3A_567 = arith.addi %add3A_565, %add3A_566 : i32
        %get3A_568 = arith.index_cast %add3A_567 : i32 to index
        %get3A_569 = tpu.vector_load %arg5[%get3A_568] {strides = array<i32>} : memref<18720xf32, #tpu.memory_space<vmem>>, vector<16xf32>,
        %sub3A_570 = arith.constant 144 : i32
        %sub3A_571 = arith.subi %mul3A_66, %sub3A_570 : i32
        %add3A_572 = arith.constant 80 : i32
        %add3A_573 = arith.addi %sub3A_571, %add3A_572 : i32
        %get3A_574 = arith.index_cast %add3A_573 : i32 to index
        %get3A_575 = tpu.vector_load %arg5[%get3A_574] {strides = array<i32>} : memref<18720xf32, #tpu.memory_space<vmem>>, vector<16xf32>,
        %sub3A_576 = arith.constant 144 : i32
        %sub3A_577 = arith.subi %mul3A_66, %sub3A_576 : i32
        %add3A_578 = arith.constant 80 : i32
        %add3A_579 = arith.addi %sub3A_577, %add3A_578 : i32
        %add3A_580 = arith.constant 2 : i32
        %add3A_581 = arith.addi %add3A_579, %add3A_580 : i32
        %get3A_582 = arith.index_cast %add3A_581 : i32 to index
        %get3A_583 = tpu.vector_load %arg5[%get3A_582] {strides = array<i32>} : memref<18720xf32, #tpu.memory_space<vmem>>, vector<16xf32>,
        %add3A_584 = arith.constant 80 : i32
        %add3A_585 = arith.addi %mul3A_66, %add3A_584 : i32
        %add3A_586 = arith.constant 1 : i32
        %add3A_587 = arith.addi %add3A_585, %add3A_586 : i32
        %get3A_588 = arith.index_cast %add3A_587 : i32 to index
        %get3A_589 = tpu.vector_load %arg5[%get3A_588] {strides = array<i32>} : memref<18720xf32, #tpu.memory_space<vmem>>, vector<16xf32>,
        %add3A_590 = arith.constant 80 : i32
        %add3A_591 = arith.addi %mul3A_66, %add3A_590 : i32
        %add3A_592 = arith.constant 2 : i32
        %add3A_593 = arith.addi %add3A_591, %add3A_592 : i32
        %get3A_594 = arith.index_cast %add3A_593 : i32 to index
        %get3A_595 = tpu.vector_load %arg5[%get3A_594] {strides = array<i32>} : memref<18720xf32, #tpu.memory_space<vmem>>, vector<16xf32>,
        %add3A_596 = arith.constant 144 : i32
        %add3A_597 = arith.addi %mul3A_66, %add3A_596 : i32
        %add3A_598 = arith.constant 80 : i32
        %add3A_599 = arith.addi %add3A_597, %add3A_598 : i32
        %add3A_600 = arith.constant 1 : i32
        %add3A_601 = arith.addi %add3A_599, %add3A_600 : i32
        %get3A_602 = arith.index_cast %add3A_601 : i32 to index
        %get3A_603 = tpu.vector_load %arg5[%get3A_602] {strides = array<i32>} : memref<18720xf32, #tpu.memory_space<vmem>>, vector<16xf32>,
        %add3A_604 = arith.constant 144 : i32
        %add3A_605 = arith.addi %mul3A_66, %add3A_604 : i32
        %add3A_606 = arith.constant 80 : i32
        %add3A_607 = arith.addi %add3A_605, %add3A_606 : i32
        %get3A_608 = arith.index_cast %add3A_607 : i32 to index
        %get3A_609 = tpu.vector_load %arg5[%get3A_608] {strides = array<i32>} : memref<18720xf32, #tpu.memory_space<vmem>>, vector<16xf32>,
        %add3A_610 = arith.constant 144 : i32
        %add3A_611 = arith.addi %mul3A_66, %add3A_610 : i32
        %add3A_612 = arith.constant 80 : i32
        %add3A_613 = arith.addi %add3A_611, %add3A_612 : i32
        %add3A_614 = arith.constant 2 : i32
        %add3A_615 = arith.addi %add3A_613, %add3A_614 : i32
        %get3A_616 = arith.index_cast %add3A_615 : i32 to index
        %get3A_617 = tpu.vector_load %arg5[%get3A_616] {strides = array<i32>} : memref<18720xf32, #tpu.memory_space<vmem>>, vector<16xf32>,
        %add3A_618 = arith.addf %get3A_569, %get3A_595 : vector<16xf32>
        %add3A_619 = arith.addf %add3A_618, %get3A_603 : vector<16xf32>
        %sub3A_620 = arith.subf %broadcast_in_dim3A_10, %add3A_619 : vector<16xf32>
        %mul3A_621 = arith.mulf %get3A_583, %get3A_569 : vector<16xf32>
        %mul3A_622 = arith.mulf %mul3A_621, %get3A_595 : vector<16xf32>
        %add3A_623 = arith.addf %sub3A_620, %mul3A_622 : vector<16xf32>
        %mul3A_624 = arith.mulf %get3A_617, %get3A_603 : vector<16xf32>
        %mul3A_625 = arith.mulf %mul3A_624, %get3A_595 : vector<16xf32>
        %add3A_626 = arith.addf %add3A_623, %mul3A_625 : vector<16xf32>
        %mul3A_627 = arith.mulf %get3A_575, %get3A_569 : vector<16xf32>
        %mul3A_628 = arith.mulf %get3A_609, %get3A_603 : vector<16xf32>
        %add3A_629 = arith.addf %mul3A_627, %mul3A_628 : vector<16xf32>
        %sub3A_630 = arith.subf %add3A_629, %broadcast_in_dim3A_10 : vector<16xf32>
        %sub3A_631 = arith.subf %broadcast_in_dim3A_10, %get3A_589 : vector<16xf32>
        %sub3A_632 = arith.subf %sub3A_631, %get3A_589 : vector<16xf32>
        %eq3A_633 = arith.cmpf oeq, %add3A_626, %sub3A_632 : vector<16xf32>
        %select_n3A_634 = arith.select %eq3A_633, %broadcast_in_dim3A_6, %broadcast_in_dim3A_4 : vector<16xi1>, vector<16xi32>
        %add3A_635 = arith.addf %add3A_626, %sub3A_630 : vector<16xf32>
        %eq3A_636 = arith.cmpf oeq, %add3A_635, %sub3A_632 : vector<16xf32>
        %select_n3A_637 = arith.select %eq3A_636, %broadcast_in_dim3A_6, %broadcast_in_dim3A_4 : vector<16xi1>, vector<16xi32>
        %convert_element_type3A_638 = arith.fptosi %get3A_589 : vector<16xf32> to vector<16xi32>
        %add3A_639 = arith.addi %select_n3A_634, %select_n3A_634 : vector<16xi32>
        %add3A_640 = arith.addi %add3A_639, %convert_element_type3A_638 : vector<16xi32>
        %gather3A_641 = tpu.vector_load_idx %arg6[%add3A_640] : memref<16xi32, #tpu.memory_space<vmem>>[vector<16xi32>], vector<16xi32>,
        %add3A_642 = arith.addi %select_n3A_637, %select_n3A_637 : vector<16xi32>
        %add3A_643 = arith.addi %add3A_642, %convert_element_type3A_638 : vector<16xi32>
        %gather3A_644 = tpu.vector_load_idx %arg6[%add3A_643] : memref<16xi32, #tpu.memory_space<vmem>>[vector<16xi32>], vector<16xi32>,
        %eq3A_645 = arith.cmpi eq, %gather3A_641, %gather3A_644 : vector<16xi32>
        %select_n3A_646 = arith.select %eq3A_645, %broadcast_in_dim3A_4, %gather3A_641 : vector<16xi1>, vector<16xi32>
        %select_n3A_647 = arith.select %eq3A_645, %add3A_28, %broadcast_in_dim3A_8 : vector<16xi1>, vector<16xi32>
        %broadcast_in_dim3A_648 = arith.constant true
        %broadcast_in_dim3A_649 = vector.broadcast %broadcast_in_dim3A_648 : i1 to vector<16xi1>
        %masked_cummax3A_650 = arith.constant -2147483648 : i32
        %masked_cummax3A_651 = vector.broadcast %masked_cummax3A_650 : i32 to vector<16xi32>
        %masked_cummax3A_652 = arith.xori %select_n3A_647, %masked_cummax3A_651 : vector<16xi32>
        %masked_cummax3A_653 = tpu.scan <max>, %masked_cummax3A_652 masked %broadcast_in_dim3A_649 : vector<16xi32>, vector<16xi1> -> vector<16xi32>
        %masked_cummax3A_654 = arith.xori %masked_cummax3A_653, %masked_cummax3A_651 : vector<16xi32>
        %broadcast_in_dim3A_655 = arith.constant true
        %broadcast_in_dim3A_656 = vector.broadcast %broadcast_in_dim3A_655 : i1 to vector<16xi1>
        %masked_cumsum3A_657 = tpu.scan <sum>, %select_n3A_646 masked %broadcast_in_dim3A_656 : vector<16xi32>, vector<16xi1> -> vector<16xi32>
        %swap3A_658 = arith.constant 80 : index
        %swap3A_659 = tpu.vector_load %arg8[%swap3A_658] {strides = array<i32>} : memref<128xi32, #tpu.memory_space<vmem>>, vector<16xi32>,
        tpu.vector_store %arg8[%swap3A_658], %masked_cummax3A_654 {strides = array<i32>} : memref<128xi32, #tpu.memory_space<vmem>>, vector<16xi32>,
        %swap3A_660 = arith.constant 80 : index
        %swap3A_661 = tpu.vector_load %arg9[%swap3A_660] {strides = array<i32>} : memref<128xi32, #tpu.memory_space<vmem>>, vector<16xi32>,
        tpu.vector_store %arg9[%swap3A_660], %masked_cumsum3A_657 {strides = array<i32>} : memref<128xi32, #tpu.memory_space<vmem>>, vector<16xi32>,
        %sub3A_662 = arith.constant 144 : i32
        %sub3A_663 = arith.subi %mul3A_66, %sub3A_662 : i32
        %add3A_664 = arith.constant 96 : i32
        %add3A_665 = arith.addi %sub3A_663, %add3A_664 : i32
        %add3A_666 = arith.constant 1 : i32
        %add3A_667 = arith.addi %add3A_665, %add3A_666 : i32
        %get3A_668 = arith.index_cast %add3A_667 : i32 to index
        %get3A_669 = tpu.vector_load %arg5[%get3A_668] {strides = array<i32>} : memref<18720xf32, #tpu.memory_space<vmem>>, vector<16xf32>,
        %sub3A_670 = arith.constant 144 : i32
        %sub3A_671 = arith.subi %mul3A_66, %sub3A_670 : i32
        %add3A_672 = arith.constant 96 : i32
        %add3A_673 = arith.addi %sub3A_671, %add3A_672 : i32
        %get3A_674 = arith.index_cast %add3A_673 : i32 to index
        %get3A_675 = tpu.vector_load %arg5[%get3A_674] {strides = array<i32>} : memref<18720xf32, #tpu.memory_space<vmem>>, vector<16xf32>,
        %sub3A_676 = arith.constant 144 : i32
        %sub3A_677 = arith.subi %mul3A_66, %sub3A_676 : i32
        %add3A_678 = arith.constant 96 : i32
        %add3A_679 = arith.addi %sub3A_677, %add3A_678 : i32
        %add3A_680 = arith.constant 2 : i32
        %add3A_681 = arith.addi %add3A_679, %add3A_680 : i32
        %get3A_682 = arith.index_cast %add3A_681 : i32 to index
        %get3A_683 = tpu.vector_load %arg5[%get3A_682] {strides = array<i32>} : memref<18720xf32, #tpu.memory_space<vmem>>, vector<16xf32>,
        %add3A_684 = arith.constant 96 : i32
        %add3A_685 = arith.addi %mul3A_66, %add3A_684 : i32
        %add3A_686 = arith.constant 1 : i32
        %add3A_687 = arith.addi %add3A_685, %add3A_686 : i32
        %get3A_688 = arith.index_cast %add3A_687 : i32 to index
        %get3A_689 = tpu.vector_load %arg5[%get3A_688] {strides = array<i32>} : memref<18720xf32, #tpu.memory_space<vmem>>, vector<16xf32>,
        %add3A_690 = arith.constant 96 : i32
        %add3A_691 = arith.addi %mul3A_66, %add3A_690 : i32
        %add3A_692 = arith.constant 2 : i32
        %add3A_693 = arith.addi %add3A_691, %add3A_692 : i32
        %get3A_694 = arith.index_cast %add3A_693 : i32 to index
        %get3A_695 = tpu.vector_load %arg5[%get3A_694] {strides = array<i32>} : memref<18720xf32, #tpu.memory_space<vmem>>, vector<16xf32>,
        %add3A_696 = arith.constant 144 : i32
        %add3A_697 = arith.addi %mul3A_66, %add3A_696 : i32
        %add3A_698 = arith.constant 96 : i32
        %add3A_699 = arith.addi %add3A_697, %add3A_698 : i32
        %add3A_700 = arith.constant 1 : i32
        %add3A_701 = arith.addi %add3A_699, %add3A_700 : i32
        %get3A_702 = arith.index_cast %add3A_701 : i32 to index
        %get3A_703 = tpu.vector_load %arg5[%get3A_702] {strides = array<i32>} : memref<18720xf32, #tpu.memory_space<vmem>>, vector<16xf32>,
        %add3A_704 = arith.constant 144 : i32
        %add3A_705 = arith.addi %mul3A_66, %add3A_704 : i32
        %add3A_706 = arith.constant 96 : i32
        %add3A_707 = arith.addi %add3A_705, %add3A_706 : i32
        %get3A_708 = arith.index_cast %add3A_707 : i32 to index
        %get3A_709 = tpu.vector_load %arg5[%get3A_708] {strides = array<i32>} : memref<18720xf32, #tpu.memory_space<vmem>>, vector<16xf32>,
        %add3A_710 = arith.constant 144 : i32
        %add3A_711 = arith.addi %mul3A_66, %add3A_710 : i32
        %add3A_712 = arith.constant 96 : i32
        %add3A_713 = arith.addi %add3A_711, %add3A_712 : i32
        %add3A_714 = arith.constant 2 : i32
        %add3A_715 = arith.addi %add3A_713, %add3A_714 : i32
        %get3A_716 = arith.index_cast %add3A_715 : i32 to index
        %get3A_717 = tpu.vector_load %arg5[%get3A_716] {strides = array<i32>} : memref<18720xf32, #tpu.memory_space<vmem>>, vector<16xf32>,
        %add3A_718 = arith.addf %get3A_669, %get3A_695 : vector<16xf32>
        %add3A_719 = arith.addf %add3A_718, %get3A_703 : vector<16xf32>
        %sub3A_720 = arith.subf %broadcast_in_dim3A_10, %add3A_719 : vector<16xf32>
        %mul3A_721 = arith.mulf %get3A_683, %get3A_669 : vector<16xf32>
        %mul3A_722 = arith.mulf %mul3A_721, %get3A_695 : vector<16xf32>
        %add3A_723 = arith.addf %sub3A_720, %mul3A_722 : vector<16xf32>
        %mul3A_724 = arith.mulf %get3A_717, %get3A_703 : vector<16xf32>
        %mul3A_725 = arith.mulf %mul3A_724, %get3A_695 : vector<16xf32>
        %add3A_726 = arith.addf %add3A_723, %mul3A_725 : vector<16xf32>
        %mul3A_727 = arith.mulf %get3A_675, %get3A_669 : vector<16xf32>
        %mul3A_728 = arith.mulf %get3A_709, %get3A_703 : vector<16xf32>
        %add3A_729 = arith.addf %mul3A_727, %mul3A_728 : vector<16xf32>
        %sub3A_730 = arith.subf %add3A_729, %broadcast_in_dim3A_10 : vector<16xf32>
        %sub3A_731 = arith.subf %broadcast_in_dim3A_10, %get3A_689 : vector<16xf32>
        %sub3A_732 = arith.subf %sub3A_731, %get3A_689 : vector<16xf32>
        %eq3A_733 = arith.cmpf oeq, %add3A_726, %sub3A_732 : vector<16xf32>
        %select_n3A_734 = arith.select %eq3A_733, %broadcast_in_dim3A_6, %broadcast_in_dim3A_4 : vector<16xi1>, vector<16xi32>
        %add3A_735 = arith.addf %add3A_726, %sub3A_730 : vector<16xf32>
        %eq3A_736 = arith.cmpf oeq, %add3A_735, %sub3A_732 : vector<16xf32>
        %select_n3A_737 = arith.select %eq3A_736, %broadcast_in_dim3A_6, %broadcast_in_dim3A_4 : vector<16xi1>, vector<16xi32>
        %convert_element_type3A_738 = arith.fptosi %get3A_689 : vector<16xf32> to vector<16xi32>
        %add3A_739 = arith.addi %select_n3A_734, %select_n3A_734 : vector<16xi32>
        %add3A_740 = arith.addi %add3A_739, %convert_element_type3A_738 : vector<16xi32>
        %gather3A_741 = tpu.vector_load_idx %arg6[%add3A_740] : memref<16xi32, #tpu.memory_space<vmem>>[vector<16xi32>], vector<16xi32>,
        %add3A_742 = arith.addi %select_n3A_737, %select_n3A_737 : vector<16xi32>
        %add3A_743 = arith.addi %add3A_742, %convert_element_type3A_738 : vector<16xi32>
        %gather3A_744 = tpu.vector_load_idx %arg6[%add3A_743] : memref<16xi32, #tpu.memory_space<vmem>>[vector<16xi32>], vector<16xi32>,
        %eq3A_745 = arith.cmpi eq, %gather3A_741, %gather3A_744 : vector<16xi32>
        %select_n3A_746 = arith.select %eq3A_745, %broadcast_in_dim3A_4, %gather3A_741 : vector<16xi1>, vector<16xi32>
        %select_n3A_747 = arith.select %eq3A_745, %add3A_31, %broadcast_in_dim3A_8 : vector<16xi1>, vector<16xi32>
        %broadcast_in_dim3A_748 = arith.constant true
        %broadcast_in_dim3A_749 = vector.broadcast %broadcast_in_dim3A_748 : i1 to vector<16xi1>
        %masked_cummax3A_750 = arith.constant -2147483648 : i32
        %masked_cummax3A_751 = vector.broadcast %masked_cummax3A_750 : i32 to vector<16xi32>
        %masked_cummax3A_752 = arith.xori %select_n3A_747, %masked_cummax3A_751 : vector<16xi32>
        %masked_cummax3A_753 = tpu.scan <max>, %masked_cummax3A_752 masked %broadcast_in_dim3A_749 : vector<16xi32>, vector<16xi1> -> vector<16xi32>
        %masked_cummax3A_754 = arith.xori %masked_cummax3A_753, %masked_cummax3A_751 : vector<16xi32>
        %broadcast_in_dim3A_755 = arith.constant true
        %broadcast_in_dim3A_756 = vector.broadcast %broadcast_in_dim3A_755 : i1 to vector<16xi1>
        %masked_cumsum3A_757 = tpu.scan <sum>, %select_n3A_746 masked %broadcast_in_dim3A_756 : vector<16xi32>, vector<16xi1> -> vector<16xi32>
        %swap3A_758 = arith.constant 96 : index
        %swap3A_759 = tpu.vector_load %arg8[%swap3A_758] {strides = array<i32>} : memref<128xi32, #tpu.memory_space<vmem>>, vector<16xi32>,
        tpu.vector_store %arg8[%swap3A_758], %masked_cummax3A_754 {strides = array<i32>} : memref<128xi32, #tpu.memory_space<vmem>>, vector<16xi32>,
        %swap3A_760 = arith.constant 96 : index
        %swap3A_761 = tpu.vector_load %arg9[%swap3A_760] {strides = array<i32>} : memref<128xi32, #tpu.memory_space<vmem>>, vector<16xi32>,
        tpu.vector_store %arg9[%swap3A_760], %masked_cumsum3A_757 {strides = array<i32>} : memref<128xi32, #tpu.memory_space<vmem>>, vector<16xi32>,
        %sub3A_762 = arith.constant 144 : i32
        %sub3A_763 = arith.subi %mul3A_66, %sub3A_762 : i32
        %add3A_764 = arith.constant 112 : i32
        %add3A_765 = arith.addi %sub3A_763, %add3A_764 : i32
        %add3A_766 = arith.constant 1 : i32
        %add3A_767 = arith.addi %add3A_765, %add3A_766 : i32
        %get3A_768 = arith.index_cast %add3A_767 : i32 to index
        %get3A_769 = tpu.vector_load %arg5[%get3A_768] {strides = array<i32>} : memref<18720xf32, #tpu.memory_space<vmem>>, vector<16xf32>,
        %sub3A_770 = arith.constant 144 : i32
        %sub3A_771 = arith.subi %mul3A_66, %sub3A_770 : i32
        %add3A_772 = arith.constant 112 : i32
        %add3A_773 = arith.addi %sub3A_771, %add3A_772 : i32
        %get3A_774 = arith.index_cast %add3A_773 : i32 to index
        %get3A_775 = tpu.vector_load %arg5[%get3A_774] {strides = array<i32>} : memref<18720xf32, #tpu.memory_space<vmem>>, vector<16xf32>,
        %sub3A_776 = arith.constant 144 : i32
        %sub3A_777 = arith.subi %mul3A_66, %sub3A_776 : i32
        %add3A_778 = arith.constant 112 : i32
        %add3A_779 = arith.addi %sub3A_777, %add3A_778 : i32
        %add3A_780 = arith.constant 2 : i32
        %add3A_781 = arith.addi %add3A_779, %add3A_780 : i32
        %get3A_782 = arith.index_cast %add3A_781 : i32 to index
        %get3A_783 = tpu.vector_load %arg5[%get3A_782] {strides = array<i32>} : memref<18720xf32, #tpu.memory_space<vmem>>, vector<16xf32>,
        %add3A_784 = arith.constant 112 : i32
        %add3A_785 = arith.addi %mul3A_66, %add3A_784 : i32
        %add3A_786 = arith.constant 1 : i32
        %add3A_787 = arith.addi %add3A_785, %add3A_786 : i32
        %get3A_788 = arith.index_cast %add3A_787 : i32 to index
        %get3A_789 = tpu.vector_load %arg5[%get3A_788] {strides = array<i32>} : memref<18720xf32, #tpu.memory_space<vmem>>, vector<16xf32>,
        %add3A_790 = arith.constant 112 : i32
        %add3A_791 = arith.addi %mul3A_66, %add3A_790 : i32
        %add3A_792 = arith.constant 2 : i32
        %add3A_793 = arith.addi %add3A_791, %add3A_792 : i32
        %get3A_794 = arith.index_cast %add3A_793 : i32 to index
        %get3A_795 = tpu.vector_load %arg5[%get3A_794] {strides = array<i32>} : memref<18720xf32, #tpu.memory_space<vmem>>, vector<16xf32>,
        %add3A_796 = arith.constant 144 : i32
        %add3A_797 = arith.addi %mul3A_66, %add3A_796 : i32
        %add3A_798 = arith.constant 112 : i32
        %add3A_799 = arith.addi %add3A_797, %add3A_798 : i32
        %add3A_800 = arith.constant 1 : i32
        %add3A_801 = arith.addi %add3A_799, %add3A_800 : i32
        %get3A_802 = arith.index_cast %add3A_801 : i32 to index
        %get3A_803 = tpu.vector_load %arg5[%get3A_802] {strides = array<i32>} : memref<18720xf32, #tpu.memory_space<vmem>>, vector<16xf32>,
        %add3A_804 = arith.constant 144 : i32
        %add3A_805 = arith.addi %mul3A_66, %add3A_804 : i32
        %add3A_806 = arith.constant 112 : i32
        %add3A_807 = arith.addi %add3A_805, %add3A_806 : i32
        %get3A_808 = arith.index_cast %add3A_807 : i32 to index
        %get3A_809 = tpu.vector_load %arg5[%get3A_808] {strides = array<i32>} : memref<18720xf32, #tpu.memory_space<vmem>>, vector<16xf32>,
        %add3A_810 = arith.constant 144 : i32
        %add3A_811 = arith.addi %mul3A_66, %add3A_810 : i32
        %add3A_812 = arith.constant 112 : i32
        %add3A_813 = arith.addi %add3A_811, %add3A_812 : i32
        %add3A_814 = arith.constant 2 : i32
        %add3A_815 = arith.addi %add3A_813, %add3A_814 : i32
        %get3A_816 = arith.index_cast %add3A_815 : i32 to index
        %get3A_817 = tpu.vector_load %arg5[%get3A_816] {strides = array<i32>} : memref<18720xf32, #tpu.memory_space<vmem>>, vector<16xf32>,
        %add3A_818 = arith.addf %get3A_769, %get3A_795 : vector<16xf32>
        %add3A_819 = arith.addf %add3A_818, %get3A_803 : vector<16xf32>
        %sub3A_820 = arith.subf %broadcast_in_dim3A_10, %add3A_819 : vector<16xf32>
        %mul3A_821 = arith.mulf %get3A_783, %get3A_769 : vector<16xf32>
        %mul3A_822 = arith.mulf %mul3A_821, %get3A_795 : vector<16xf32>
        %add3A_823 = arith.addf %sub3A_820, %mul3A_822 : vector<16xf32>
        %mul3A_824 = arith.mulf %get3A_817, %get3A_803 : vector<16xf32>
        %mul3A_825 = arith.mulf %mul3A_824, %get3A_795 : vector<16xf32>
        %add3A_826 = arith.addf %add3A_823, %mul3A_825 : vector<16xf32>
        %mul3A_827 = arith.mulf %get3A_775, %get3A_769 : vector<16xf32>
        %mul3A_828 = arith.mulf %get3A_809, %get3A_803 : vector<16xf32>
        %add3A_829 = arith.addf %mul3A_827, %mul3A_828 : vector<16xf32>
        %sub3A_830 = arith.subf %add3A_829, %broadcast_in_dim3A_10 : vector<16xf32>
        %sub3A_831 = arith.subf %broadcast_in_dim3A_10, %get3A_789 : vector<16xf32>
        %sub3A_832 = arith.subf %sub3A_831, %get3A_789 : vector<16xf32>
        %eq3A_833 = arith.cmpf oeq, %add3A_826, %sub3A_832 : vector<16xf32>
        %select_n3A_834 = arith.select %eq3A_833, %broadcast_in_dim3A_6, %broadcast_in_dim3A_4 : vector<16xi1>, vector<16xi32>
        %add3A_835 = arith.addf %add3A_826, %sub3A_830 : vector<16xf32>
        %eq3A_836 = arith.cmpf oeq, %add3A_835, %sub3A_832 : vector<16xf32>
        %select_n3A_837 = arith.select %eq3A_836, %broadcast_in_dim3A_6, %broadcast_in_dim3A_4 : vector<16xi1>, vector<16xi32>
        %convert_element_type3A_838 = arith.fptosi %get3A_789 : vector<16xf32> to vector<16xi32>
        %add3A_839 = arith.addi %select_n3A_834, %select_n3A_834 : vector<16xi32>
        %add3A_840 = arith.addi %add3A_839, %convert_element_type3A_838 : vector<16xi32>
        %gather3A_841 = tpu.vector_load_idx %arg6[%add3A_840] : memref<16xi32, #tpu.memory_space<vmem>>[vector<16xi32>], vector<16xi32>,
        %add3A_842 = arith.addi %select_n3A_837, %select_n3A_837 : vector<16xi32>
        %add3A_843 = arith.addi %add3A_842, %convert_element_type3A_838 : vector<16xi32>
        %gather3A_844 = tpu.vector_load_idx %arg6[%add3A_843] : memref<16xi32, #tpu.memory_space<vmem>>[vector<16xi32>], vector<16xi32>,
        %eq3A_845 = arith.cmpi eq, %gather3A_841, %gather3A_844 : vector<16xi32>
        %select_n3A_846 = arith.select %eq3A_845, %broadcast_in_dim3A_4, %gather3A_841 : vector<16xi1>, vector<16xi32>
        %select_n3A_847 = arith.select %eq3A_845, %add3A_34, %broadcast_in_dim3A_8 : vector<16xi1>, vector<16xi32>
        %broadcast_in_dim3A_848 = arith.constant true
        %broadcast_in_dim3A_849 = vector.broadcast %broadcast_in_dim3A_848 : i1 to vector<16xi1>
        %masked_cummax3A_850 = arith.constant -2147483648 : i32
        %masked_cummax3A_851 = vector.broadcast %masked_cummax3A_850 : i32 to vector<16xi32>
        %masked_cummax3A_852 = arith.xori %select_n3A_847, %masked_cummax3A_851 : vector<16xi32>
        %masked_cummax3A_853 = tpu.scan <max>, %masked_cummax3A_852 masked %broadcast_in_dim3A_849 : vector<16xi32>, vector<16xi1> -> vector<16xi32>
        %masked_cummax3A_854 = arith.xori %masked_cummax3A_853, %masked_cummax3A_851 : vector<16xi32>
        %broadcast_in_dim3A_855 = arith.constant true
        %broadcast_in_dim3A_856 = vector.broadcast %broadcast_in_dim3A_855 : i1 to vector<16xi1>
        %masked_cumsum3A_857 = tpu.scan <sum>, %select_n3A_846 masked %broadcast_in_dim3A_856 : vector<16xi32>, vector<16xi1> -> vector<16xi32>
        %swap3A_858 = arith.constant 112 : index
        %swap3A_859 = tpu.vector_load %arg8[%swap3A_858] {strides = array<i32>} : memref<128xi32, #tpu.memory_space<vmem>>, vector<16xi32>,
        tpu.vector_store %arg8[%swap3A_858], %masked_cummax3A_854 {strides = array<i32>} : memref<128xi32, #tpu.memory_space<vmem>>, vector<16xi32>,
        %swap3A_860 = arith.constant 112 : index
        %swap3A_861 = tpu.vector_load %arg9[%swap3A_860] {strides = array<i32>} : memref<128xi32, #tpu.memory_space<vmem>>, vector<16xi32>,
        tpu.vector_store %arg9[%swap3A_860], %masked_cumsum3A_857 {strides = array<i32>} : memref<128xi32, #tpu.memory_space<vmem>>, vector<16xi32>,
        %gather3A_862 = tpu.vector_load_idx %arg8[%add3A_57] : memref<128xi32, #tpu.memory_space<vmem>>[vector<16xi32>], vector<16xi32>,
        %gather3A_863 = tpu.vector_load_idx %arg9[%add3A_57] : memref<128xi32, #tpu.memory_space<vmem>>[vector<16xi32>], vector<16xi32>,
        %broadcast_in_dim3A_864 = arith.constant true
        %broadcast_in_dim3A_865 = vector.broadcast %broadcast_in_dim3A_864 : i1 to vector<16xi1>
        %masked_cummax3A_866 = arith.constant -2147483648 : i32
        %masked_cummax3A_867 = vector.broadcast %masked_cummax3A_866 : i32 to vector<16xi32>
        %masked_cummax3A_868 = arith.xori %gather3A_862, %masked_cummax3A_867 : vector<16xi32>
        %masked_cummax3A_869 = tpu.scan <max>, %masked_cummax3A_868 masked %broadcast_in_dim3A_865 : vector<16xi32>, vector<16xi1> -> vector<16xi32>
        %masked_cummax3A_870 = arith.xori %masked_cummax3A_869, %masked_cummax3A_867 : vector<16xi32>
        %broadcast_in_dim3A_871 = arith.constant true
        %broadcast_in_dim3A_872 = vector.broadcast %broadcast_in_dim3A_871 : i1 to vector<16xi1>
        %masked_cumsum3A_873 = tpu.scan <sum>, %gather3A_863 masked %broadcast_in_dim3A_872 : vector<16xi32>, vector<16xi1> -> vector<16xi32>
        %lt3A = arith.constant 0 : i32
        %lt3A_874 = vector.broadcast %lt3A : i32 to vector<16xi32>
        %lt3A_875 = arith.cmpi slt, %max3A, %lt3A_874 : vector<16xi32>
        %add3A_876 = arith.constant 16 : i32
        %add3A_877 = vector.broadcast %add3A_876 : i32 to vector<16xi32>
        %add3A_878 = arith.addi %max3A, %add3A_877 : vector<16xi32>
        %select_n3A_879 = arith.select %lt3A_875, %add3A_878, %max3A : vector<16xi1>, vector<16xi32>
        %broadcast_in_dim3A_880 = vector.shape_cast %select_n3A_879 : vector<16xi32> to vector<16x1xi32>
        %gather3A_881 = vector.shape_cast %broadcast_in_dim3A_880 : vector<16x1xi32> to vector<16xi32>
        %gather3A_882 = tpu.dynamic_gather %masked_cummax3A_870[%gather3A_881] in [0] : vector<16xi32>, vector<16xi32> -> vector<16xi32>
        %lt3A_883 = arith.constant 0 : i32
        %lt3A_884 = vector.broadcast %lt3A_883 : i32 to vector<16xi32>
        %lt3A_885 = arith.cmpi slt, %max3A, %lt3A_884 : vector<16xi32>
        %add3A_886 = arith.constant 16 : i32
        %add3A_887 = vector.broadcast %add3A_886 : i32 to vector<16xi32>
        %add3A_888 = arith.addi %max3A, %add3A_887 : vector<16xi32>
        %select_n3A_889 = arith.select %lt3A_885, %add3A_888, %max3A : vector<16xi1>, vector<16xi32>
        %broadcast_in_dim3A_890 = vector.shape_cast %select_n3A_889 : vector<16xi32> to vector<16x1xi32>
        %gather3A_891 = vector.shape_cast %broadcast_in_dim3A_890 : vector<16x1xi32> to vector<16xi32>
        %gather3A_892 = tpu.dynamic_gather %masked_cumsum3A_873[%gather3A_891] in [0] : vector<16xi32>, vector<16xi32> -> vector<16xi32>
        %select_n3A_893 = arith.select %eq3A_58, %broadcast_in_dim3A_8, %gather3A_882 : vector<16xi1>, vector<16xi32>
        %select_n3A_894 = arith.select %eq3A_58, %broadcast_in_dim3A_4, %gather3A_892 : vector<16xi1>, vector<16xi32>
        %lt3A_895 = arith.constant 0 : i32
        %lt3A_896 = vector.broadcast %lt3A_895 : i32 to vector<16xi32>
        %lt3A_897 = arith.cmpi slt, %broadcast_in_dim3A_36, %lt3A_896 : vector<16xi32>
        %add3A_898 = arith.constant 16 : i32
        %add3A_899 = vector.broadcast %add3A_898 : i32 to vector<16xi32>
        %add3A_900 = arith.addi %broadcast_in_dim3A_36, %add3A_899 : vector<16xi32>
        %select_n3A_901 = arith.select %lt3A_897, %add3A_900, %broadcast_in_dim3A_36 : vector<16xi1>, vector<16xi32>
        %broadcast_in_dim3A_902 = vector.shape_cast %select_n3A_901 : vector<16xi32> to vector<16x1xi32>
        %gather3A_903 = vector.shape_cast %broadcast_in_dim3A_902 : vector<16x1xi32> to vector<16xi32>
        %gather3A_904 = tpu.dynamic_gather %select_n3A_893[%gather3A_903] in [0] : vector<16xi32>, vector<16xi32> -> vector<16xi32>
        %lt3A_905 = arith.constant 0 : i32
        %lt3A_906 = vector.broadcast %lt3A_905 : i32 to vector<16xi32>
        %lt3A_907 = arith.cmpi slt, %broadcast_in_dim3A_36, %lt3A_906 : vector<16xi32>
        %add3A_908 = arith.constant 16 : i32
        %add3A_909 = vector.broadcast %add3A_908 : i32 to vector<16xi32>
        %add3A_910 = arith.addi %broadcast_in_dim3A_36, %add3A_909 : vector<16xi32>
        %select_n3A_911 = arith.select %lt3A_907, %add3A_910, %broadcast_in_dim3A_36 : vector<16xi1>, vector<16xi32>
        %broadcast_in_dim3A_912 = vector.shape_cast %select_n3A_911 : vector<16xi32> to vector<16x1xi32>
        %gather3A_913 = vector.shape_cast %broadcast_in_dim3A_912 : vector<16x1xi32> to vector<16xi32>
        %gather3A_914 = tpu.dynamic_gather %select_n3A_894[%gather3A_913] in [0] : vector<16xi32>, vector<16xi32> -> vector<16xi32>
        %max3A_915 = arith.maxsi %masked_cummax3A_155, %gather3A_904 : vector<16xi32>
        %add3A_916 = arith.addi %masked_cumsum3A, %gather3A_914 : vector<16xi32>
        %and3A_917 = arith.andi %add3A_916, %broadcast_in_dim3A_6 : vector<16xi32>
        %xor3A = arith.xori %gather3A, %and3A_917 : vector<16xi32>
        %swap3A_918 = arith.constant 1 : index
        %swap3A_919 = tpu.vector_load %arg7[%swap3A_918] {strides = array<i32>} : memref<144xi32, #tpu.memory_space<vmem>>, vector<16xi32>,
        tpu.vector_store %arg7[%swap3A_918], %xor3A {strides = array<i32>} : memref<144xi32, #tpu.memory_space<vmem>>, vector<16xi32>,
        %add3A_920 = arith.addi %max3A_915, %broadcast_in_dim3A_6 : vector<16xi32>
        %gather3A_921 = tpu.vector_load_idx %arg7[%add3A_920] : memref<144xi32, #tpu.memory_space<vmem>>[vector<16xi32>], vector<16xi32>,
        %xor3A_922 = arith.xori %gather3A_921, %and3A_917 : vector<16xi32>
        %convert_element_type3A_923 = arith.sitofp %xor3A_922 : vector<16xi32> to vector<16xf32>
        %add3A_924 = arith.constant 0 : i32
        %add3A_925 = arith.addi %mul3A_66, %add3A_924 : i32
        %add3A_926 = arith.constant 1 : i32
        %add3A_927 = arith.addi %add3A_925, %add3A_926 : i32
        %swap3A_928 = arith.index_cast %add3A_927 : i32 to index
        %swap3A_929 = tpu.vector_load %arg5[%swap3A_928] {strides = array<i32>} : memref<18720xf32, #tpu.memory_space<vmem>>, vector<16xf32>,
        tpu.vector_store %arg5[%swap3A_928], %convert_element_type3A_923 {strides = array<i32>} : memref<18720xf32, #tpu.memory_space<vmem>>, vector<16xf32>,
        %lt3A_930 = arith.constant 0 : i32
        %lt3A_931 = vector.broadcast %lt3A_930 : i32 to vector<16xi32>
        %lt3A_932 = arith.cmpi slt, %broadcast_in_dim3A_38, %lt3A_931 : vector<16xi32>
        %add3A_933 = arith.constant 16 : i32
        %add3A_934 = vector.broadcast %add3A_933 : i32 to vector<16xi32>
        %add3A_935 = arith.addi %broadcast_in_dim3A_38, %add3A_934 : vector<16xi32>
        %select_n3A_936 = arith.select %lt3A_932, %add3A_935, %broadcast_in_dim3A_38 : vector<16xi1>, vector<16xi32>
        %broadcast_in_dim3A_937 = vector.shape_cast %select_n3A_936 : vector<16xi32> to vector<16x1xi32>
        %gather3A_938 = vector.shape_cast %broadcast_in_dim3A_937 : vector<16x1xi32> to vector<16xi32>
        %gather3A_939 = tpu.dynamic_gather %select_n3A_893[%gather3A_938] in [0] : vector<16xi32>, vector<16xi32> -> vector<16xi32>
        %lt3A_940 = arith.constant 0 : i32
        %lt3A_941 = vector.broadcast %lt3A_940 : i32 to vector<16xi32>
        %lt3A_942 = arith.cmpi slt, %broadcast_in_dim3A_38, %lt3A_941 : vector<16xi32>
        %add3A_943 = arith.constant 16 : i32
        %add3A_944 = vector.broadcast %add3A_943 : i32 to vector<16xi32>
        %add3A_945 = arith.addi %broadcast_in_dim3A_38, %add3A_944 : vector<16xi32>
        %select_n3A_946 = arith.select %lt3A_942, %add3A_945, %broadcast_in_dim3A_38 : vector<16xi1>, vector<16xi32>
        %broadcast_in_dim3A_947 = vector.shape_cast %select_n3A_946 : vector<16xi32> to vector<16x1xi32>
        %gather3A_948 = vector.shape_cast %broadcast_in_dim3A_947 : vector<16x1xi32> to vector<16xi32>
        %gather3A_949 = tpu.dynamic_gather %select_n3A_894[%gather3A_948] in [0] : vector<16xi32>, vector<16xi32> -> vector<16xi32>
        %max3A_950 = arith.maxsi %masked_cummax3A_254, %gather3A_939 : vector<16xi32>
        %add3A_951 = arith.addi %masked_cumsum3A_257, %gather3A_949 : vector<16xi32>
        %and3A_952 = arith.andi %add3A_951, %broadcast_in_dim3A_6 : vector<16xi32>
        %xor3A_953 = arith.xori %gather3A_241, %and3A_952 : vector<16xi32>
        %swap3A_954 = arith.constant 17 : index
        %swap3A_955 = tpu.vector_load %arg7[%swap3A_954] {strides = array<i32>} : memref<144xi32, #tpu.memory_space<vmem>>, vector<16xi32>,
        tpu.vector_store %arg7[%swap3A_954], %xor3A_953 {strides = array<i32>} : memref<144xi32, #tpu.memory_space<vmem>>, vector<16xi32>,
        %add3A_956 = arith.addi %max3A_950, %broadcast_in_dim3A_6 : vector<16xi32>
        %gather3A_957 = tpu.vector_load_idx %arg7[%add3A_956] : memref<144xi32, #tpu.memory_space<vmem>>[vector<16xi32>], vector<16xi32>,
        %xor3A_958 = arith.xori %gather3A_957, %and3A_952 : vector<16xi32>
        %convert_element_type3A_959 = arith.sitofp %xor3A_958 : vector<16xi32> to vector<16xf32>
        %add3A_960 = arith.constant 16 : i32
        %add3A_961 = arith.addi %mul3A_66, %add3A_960 : i32
        %add3A_962 = arith.constant 1 : i32
        %add3A_963 = arith.addi %add3A_961, %add3A_962 : i32
        %swap3A_964 = arith.index_cast %add3A_963 : i32 to index
        %swap3A_965 = tpu.vector_load %arg5[%swap3A_964] {strides = array<i32>} : memref<18720xf32, #tpu.memory_space<vmem>>, vector<16xf32>,
        tpu.vector_store %arg5[%swap3A_964], %convert_element_type3A_959 {strides = array<i32>} : memref<18720xf32, #tpu.memory_space<vmem>>, vector<16xf32>,
        %lt3A_966 = arith.constant 0 : i32
        %lt3A_967 = vector.broadcast %lt3A_966 : i32 to vector<16xi32>
        %lt3A_968 = arith.cmpi slt, %broadcast_in_dim3A_40, %lt3A_967 : vector<16xi32>
        %add3A_969 = arith.constant 16 : i32
        %add3A_970 = vector.broadcast %add3A_969 : i32 to vector<16xi32>
        %add3A_971 = arith.addi %broadcast_in_dim3A_40, %add3A_970 : vector<16xi32>
        %select_n3A_972 = arith.select %lt3A_968, %add3A_971, %broadcast_in_dim3A_40 : vector<16xi1>, vector<16xi32>
        %broadcast_in_dim3A_973 = vector.shape_cast %select_n3A_972 : vector<16xi32> to vector<16x1xi32>
        %gather3A_974 = vector.shape_cast %broadcast_in_dim3A_973 : vector<16x1xi32> to vector<16xi32>
        %gather3A_975 = tpu.dynamic_gather %select_n3A_893[%gather3A_974] in [0] : vector<16xi32>, vector<16xi32> -> vector<16xi32>
        %lt3A_976 = arith.constant 0 : i32
        %lt3A_977 = vector.broadcast %lt3A_976 : i32 to vector<16xi32>
        %lt3A_978 = arith.cmpi slt, %broadcast_in_dim3A_40, %lt3A_977 : vector<16xi32>
        %add3A_979 = arith.constant 16 : i32
        %add3A_980 = vector.broadcast %add3A_979 : i32 to vector<16xi32>
        %add3A_981 = arith.addi %broadcast_in_dim3A_40, %add3A_980 : vector<16xi32>
        %select_n3A_982 = arith.select %lt3A_978, %add3A_981, %broadcast_in_dim3A_40 : vector<16xi1>, vector<16xi32>
        %broadcast_in_dim3A_983 = vector.shape_cast %select_n3A_982 : vector<16xi32> to vector<16x1xi32>
        %gather3A_984 = vector.shape_cast %broadcast_in_dim3A_983 : vector<16x1xi32> to vector<16xi32>
        %gather3A_985 = tpu.dynamic_gather %select_n3A_894[%gather3A_984] in [0] : vector<16xi32>, vector<16xi32> -> vector<16xi32>
        %max3A_986 = arith.maxsi %masked_cummax3A_354, %gather3A_975 : vector<16xi32>
        %add3A_987 = arith.addi %masked_cumsum3A_357, %gather3A_985 : vector<16xi32>
        %and3A_988 = arith.andi %add3A_987, %broadcast_in_dim3A_6 : vector<16xi32>
        %xor3A_989 = arith.xori %gather3A_341, %and3A_988 : vector<16xi32>
        %swap3A_990 = arith.constant 33 : index
        %swap3A_991 = tpu.vector_load %arg7[%swap3A_990] {strides = array<i32>} : memref<144xi32, #tpu.memory_space<vmem>>, vector<16xi32>,
        tpu.vector_store %arg7[%swap3A_990], %xor3A_989 {strides = array<i32>} : memref<144xi32, #tpu.memory_space<vmem>>, vector<16xi32>,
        %add3A_992 = arith.addi %max3A_986, %broadcast_in_dim3A_6 : vector<16xi32>
        %gather3A_993 = tpu.vector_load_idx %arg7[%add3A_992] : memref<144xi32, #tpu.memory_space<vmem>>[vector<16xi32>], vector<16xi32>,
        %xor3A_994 = arith.xori %gather3A_993, %and3A_988 : vector<16xi32>
        %convert_element_type3A_995 = arith.sitofp %xor3A_994 : vector<16xi32> to vector<16xf32>
        %add3A_996 = arith.constant 32 : i32
        %add3A_997 = arith.addi %mul3A_66, %add3A_996 : i32
        %add3A_998 = arith.constant 1 : i32
        %add3A_999 = arith.addi %add3A_997, %add3A_998 : i32
        %swap3A_1000 = arith.index_cast %add3A_999 : i32 to index
        %swap3A_1001 = tpu.vector_load %arg5[%swap3A_1000] {strides = array<i32>} : memref<18720xf32, #tpu.memory_space<vmem>>, vector<16xf32>,
        tpu.vector_store %arg5[%swap3A_1000], %convert_element_type3A_995 {strides = array<i32>} : memref<18720xf32, #tpu.memory_space<vmem>>, vector<16xf32>,
        %lt3A_1002 = arith.constant 0 : i32
        %lt3A_1003 = vector.broadcast %lt3A_1002 : i32 to vector<16xi32>
        %lt3A_1004 = arith.cmpi slt, %broadcast_in_dim3A_42, %lt3A_1003 : vector<16xi32>
        %add3A_1005 = arith.constant 16 : i32
        %add3A_1006 = vector.broadcast %add3A_1005 : i32 to vector<16xi32>
        %add3A_1007 = arith.addi %broadcast_in_dim3A_42, %add3A_1006 : vector<16xi32>
        %select_n3A_1008 = arith.select %lt3A_1004, %add3A_1007, %broadcast_in_dim3A_42 : vector<16xi1>, vector<16xi32>
        %broadcast_in_dim3A_1009 = vector.shape_cast %select_n3A_1008 : vector<16xi32> to vector<16x1xi32>
        %gather3A_1010 = vector.shape_cast %broadcast_in_dim3A_1009 : vector<16x1xi32> to vector<16xi32>
        %gather3A_1011 = tpu.dynamic_gather %select_n3A_893[%gather3A_1010] in [0] : vector<16xi32>, vector<16xi32> -> vector<16xi32>
        %lt3A_1012 = arith.constant 0 : i32
        %lt3A_1013 = vector.broadcast %lt3A_1012 : i32 to vector<16xi32>
        %lt3A_1014 = arith.cmpi slt, %broadcast_in_dim3A_42, %lt3A_1013 : vector<16xi32>
        %add3A_1015 = arith.constant 16 : i32
        %add3A_1016 = vector.broadcast %add3A_1015 : i32 to vector<16xi32>
        %add3A_1017 = arith.addi %broadcast_in_dim3A_42, %add3A_1016 : vector<16xi32>
        %select_n3A_1018 = arith.select %lt3A_1014, %add3A_1017, %broadcast_in_dim3A_42 : vector<16xi1>, vector<16xi32>
        %broadcast_in_dim3A_1019 = vector.shape_cast %select_n3A_1018 : vector<16xi32> to vector<16x1xi32>
        %gather3A_1020 = vector.shape_cast %broadcast_in_dim3A_1019 : vector<16x1xi32> to vector<16xi32>
        %gather3A_1021 = tpu.dynamic_gather %select_n3A_894[%gather3A_1020] in [0] : vector<16xi32>, vector<16xi32> -> vector<16xi32>
        %max3A_1022 = arith.maxsi %masked_cummax3A_454, %gather3A_1011 : vector<16xi32>
        %add3A_1023 = arith.addi %masked_cumsum3A_457, %gather3A_1021 : vector<16xi32>
        %and3A_1024 = arith.andi %add3A_1023, %broadcast_in_dim3A_6 : vector<16xi32>
        %xor3A_1025 = arith.xori %gather3A_441, %and3A_1024 : vector<16xi32>
        %swap3A_1026 = arith.constant 49 : index
        %swap3A_1027 = tpu.vector_load %arg7[%swap3A_1026] {strides = array<i32>} : memref<144xi32, #tpu.memory_space<vmem>>, vector<16xi32>,
        tpu.vector_store %arg7[%swap3A_1026], %xor3A_1025 {strides = array<i32>} : memref<144xi32, #tpu.memory_space<vmem>>, vector<16xi32>,
        %add3A_1028 = arith.addi %max3A_1022, %broadcast_in_dim3A_6 : vector<16xi32>
        %gather3A_1029 = tpu.vector_load_idx %arg7[%add3A_1028] : memref<144xi32, #tpu.memory_space<vmem>>[vector<16xi32>], vector<16xi32>,
        %xor3A_1030 = arith.xori %gather3A_1029, %and3A_1024 : vector<16xi32>
        %convert_element_type3A_1031 = arith.sitofp %xor3A_1030 : vector<16xi32> to vector<16xf32>
        %add3A_1032 = arith.constant 48 : i32
        %add3A_1033 = arith.addi %mul3A_66, %add3A_1032 : i32
        %add3A_1034 = arith.constant 1 : i32
        %add3A_1035 = arith.addi %add3A_1033, %add3A_1034 : i32
        %swap3A_1036 = arith.index_cast %add3A_1035 : i32 to index
        %swap3A_1037 = tpu.vector_load %arg5[%swap3A_1036] {strides = array<i32>} : memref<18720xf32, #tpu.memory_space<vmem>>, vector<16xf32>,
        tpu.vector_store %arg5[%swap3A_1036], %convert_element_type3A_1031 {strides = array<i32>} : memref<18720xf32, #tpu.memory_space<vmem>>, vector<16xf32>,
        %lt3A_1038 = arith.constant 0 : i32
        %lt3A_1039 = vector.broadcast %lt3A_1038 : i32 to vector<16xi32>
        %lt3A_1040 = arith.cmpi slt, %broadcast_in_dim3A_44, %lt3A_1039 : vector<16xi32>
        %add3A_1041 = arith.constant 16 : i32
        %add3A_1042 = vector.broadcast %add3A_1041 : i32 to vector<16xi32>
        %add3A_1043 = arith.addi %broadcast_in_dim3A_44, %add3A_1042 : vector<16xi32>
        %select_n3A_1044 = arith.select %lt3A_1040, %add3A_1043, %broadcast_in_dim3A_44 : vector<16xi1>, vector<16xi32>
        %broadcast_in_dim3A_1045 = vector.shape_cast %select_n3A_1044 : vector<16xi32> to vector<16x1xi32>
        %gather3A_1046 = vector.shape_cast %broadcast_in_dim3A_1045 : vector<16x1xi32> to vector<16xi32>
        %gather3A_1047 = tpu.dynamic_gather %select_n3A_893[%gather3A_1046] in [0] : vector<16xi32>, vector<16xi32> -> vector<16xi32>
        %lt3A_1048 = arith.constant 0 : i32
        %lt3A_1049 = vector.broadcast %lt3A_1048 : i32 to vector<16xi32>
        %lt3A_1050 = arith.cmpi slt, %broadcast_in_dim3A_44, %lt3A_1049 : vector<16xi32>
        %add3A_1051 = arith.constant 16 : i32
        %add3A_1052 = vector.broadcast %add3A_1051 : i32 to vector<16xi32>
        %add3A_1053 = arith.addi %broadcast_in_dim3A_44, %add3A_1052 : vector<16xi32>
        %select_n3A_1054 = arith.select %lt3A_1050, %add3A_1053, %broadcast_in_dim3A_44 : vector<16xi1>, vector<16xi32>
        %broadcast_in_dim3A_1055 = vector.shape_cast %select_n3A_1054 : vector<16xi32> to vector<16x1xi32>
        %gather3A_1056 = vector.shape_cast %broadcast_in_dim3A_1055 : vector<16x1xi32> to vector<16xi32>
        %gather3A_1057 = tpu.dynamic_gather %select_n3A_894[%gather3A_1056] in [0] : vector<16xi32>, vector<16xi32> -> vector<16xi32>
        %max3A_1058 = arith.maxsi %masked_cummax3A_554, %gather3A_1047 : vector<16xi32>
        %add3A_1059 = arith.addi %masked_cumsum3A_557, %gather3A_1057 : vector<16xi32>
        %and3A_1060 = arith.andi %add3A_1059, %broadcast_in_dim3A_6 : vector<16xi32>
        %xor3A_1061 = arith.xori %gather3A_541, %and3A_1060 : vector<16xi32>
        %swap3A_1062 = arith.constant 65 : index
        %swap3A_1063 = tpu.vector_load %arg7[%swap3A_1062] {strides = array<i32>} : memref<144xi32, #tpu.memory_space<vmem>>, vector<16xi32>,
        tpu.vector_store %arg7[%swap3A_1062], %xor3A_1061 {strides = array<i32>} : memref<144xi32, #tpu.memory_space<vmem>>, vector<16xi32>,
        %add3A_1064 = arith.addi %max3A_1058, %broadcast_in_dim3A_6 : vector<16xi32>
        %gather3A_1065 = tpu.vector_load_idx %arg7[%add3A_1064] : memref<144xi32, #tpu.memory_space<vmem>>[vector<16xi32>], vector<16xi32>,
        %xor3A_1066 = arith.xori %gather3A_1065, %and3A_1060 : vector<16xi32>
        %convert_element_type3A_1067 = arith.sitofp %xor3A_1066 : vector<16xi32> to vector<16xf32>
        %add3A_1068 = arith.constant 64 : i32
        %add3A_1069 = arith.addi %mul3A_66, %add3A_1068 : i32
        %add3A_1070 = arith.constant 1 : i32
        %add3A_1071 = arith.addi %add3A_1069, %add3A_1070 : i32
        %swap3A_1072 = arith.index_cast %add3A_1071 : i32 to index
        %swap3A_1073 = tpu.vector_load %arg5[%swap3A_1072] {strides = array<i32>} : memref<18720xf32, #tpu.memory_space<vmem>>, vector<16xf32>,
        tpu.vector_store %arg5[%swap3A_1072], %convert_element_type3A_1067 {strides = array<i32>} : memref<18720xf32, #tpu.memory_space<vmem>>, vector<16xf32>,
        %lt3A_1074 = arith.constant 0 : i32
        %lt3A_1075 = vector.broadcast %lt3A_1074 : i32 to vector<16xi32>
        %lt3A_1076 = arith.cmpi slt, %broadcast_in_dim3A_46, %lt3A_1075 : vector<16xi32>
        %add3A_1077 = arith.constant 16 : i32
        %add3A_1078 = vector.broadcast %add3A_1077 : i32 to vector<16xi32>
        %add3A_1079 = arith.addi %broadcast_in_dim3A_46, %add3A_1078 : vector<16xi32>
        %select_n3A_1080 = arith.select %lt3A_1076, %add3A_1079, %broadcast_in_dim3A_46 : vector<16xi1>, vector<16xi32>
        %broadcast_in_dim3A_1081 = vector.shape_cast %select_n3A_1080 : vector<16xi32> to vector<16x1xi32>
        %gather3A_1082 = vector.shape_cast %broadcast_in_dim3A_1081 : vector<16x1xi32> to vector<16xi32>
        %gather3A_1083 = tpu.dynamic_gather %select_n3A_893[%gather3A_1082] in [0] : vector<16xi32>, vector<16xi32> -> vector<16xi32>
        %lt3A_1084 = arith.constant 0 : i32
        %lt3A_1085 = vector.broadcast %lt3A_1084 : i32 to vector<16xi32>
        %lt3A_1086 = arith.cmpi slt, %broadcast_in_dim3A_46, %lt3A_1085 : vector<16xi32>
        %add3A_1087 = arith.constant 16 : i32
        %add3A_1088 = vector.broadcast %add3A_1087 : i32 to vector<16xi32>
        %add3A_1089 = arith.addi %broadcast_in_dim3A_46, %add3A_1088 : vector<16xi32>
        %select_n3A_1090 = arith.select %lt3A_1086, %add3A_1089, %broadcast_in_dim3A_46 : vector<16xi1>, vector<16xi32>
        %broadcast_in_dim3A_1091 = vector.shape_cast %select_n3A_1090 : vector<16xi32> to vector<16x1xi32>
        %gather3A_1092 = vector.shape_cast %broadcast_in_dim3A_1091 : vector<16x1xi32> to vector<16xi32>
        %gather3A_1093 = tpu.dynamic_gather %select_n3A_894[%gather3A_1092] in [0] : vector<16xi32>, vector<16xi32> -> vector<16xi32>
        %max3A_1094 = arith.maxsi %masked_cummax3A_654, %gather3A_1083 : vector<16xi32>
        %add3A_1095 = arith.addi %masked_cumsum3A_657, %gather3A_1093 : vector<16xi32>
        %and3A_1096 = arith.andi %add3A_1095, %broadcast_in_dim3A_6 : vector<16xi32>
        %xor3A_1097 = arith.xori %gather3A_641, %and3A_1096 : vector<16xi32>
        %swap3A_1098 = arith.constant 81 : index
        %swap3A_1099 = tpu.vector_load %arg7[%swap3A_1098] {strides = array<i32>} : memref<144xi32, #tpu.memory_space<vmem>>, vector<16xi32>,
        tpu.vector_store %arg7[%swap3A_1098], %xor3A_1097 {strides = array<i32>} : memref<144xi32, #tpu.memory_space<vmem>>, vector<16xi32>,
        %add3A_1100 = arith.addi %max3A_1094, %broadcast_in_dim3A_6 : vector<16xi32>
        %gather3A_1101 = tpu.vector_load_idx %arg7[%add3A_1100] : memref<144xi32, #tpu.memory_space<vmem>>[vector<16xi32>], vector<16xi32>,
        %xor3A_1102 = arith.xori %gather3A_1101, %and3A_1096 : vector<16xi32>
        %convert_element_type3A_1103 = arith.sitofp %xor3A_1102 : vector<16xi32> to vector<16xf32>
        %add3A_1104 = arith.constant 80 : i32
        %add3A_1105 = arith.addi %mul3A_66, %add3A_1104 : i32
        %add3A_1106 = arith.constant 1 : i32
        %add3A_1107 = arith.addi %add3A_1105, %add3A_1106 : i32
        %swap3A_1108 = arith.index_cast %add3A_1107 : i32 to index
        %swap3A_1109 = tpu.vector_load %arg5[%swap3A_1108] {strides = array<i32>} : memref<18720xf32, #tpu.memory_space<vmem>>, vector<16xf32>,
        tpu.vector_store %arg5[%swap3A_1108], %convert_element_type3A_1103 {strides = array<i32>} : memref<18720xf32, #tpu.memory_space<vmem>>, vector<16xf32>,
        %lt3A_1110 = arith.constant 0 : i32
        %lt3A_1111 = vector.broadcast %lt3A_1110 : i32 to vector<16xi32>
        %lt3A_1112 = arith.cmpi slt, %broadcast_in_dim3A_48, %lt3A_1111 : vector<16xi32>
        %add3A_1113 = arith.constant 16 : i32
        %add3A_1114 = vector.broadcast %add3A_1113 : i32 to vector<16xi32>
        %add3A_1115 = arith.addi %broadcast_in_dim3A_48, %add3A_1114 : vector<16xi32>
        %select_n3A_1116 = arith.select %lt3A_1112, %add3A_1115, %broadcast_in_dim3A_48 : vector<16xi1>, vector<16xi32>
        %broadcast_in_dim3A_1117 = vector.shape_cast %select_n3A_1116 : vector<16xi32> to vector<16x1xi32>
        %gather3A_1118 = vector.shape_cast %broadcast_in_dim3A_1117 : vector<16x1xi32> to vector<16xi32>
        %gather3A_1119 = tpu.dynamic_gather %select_n3A_893[%gather3A_1118] in [0] : vector<16xi32>, vector<16xi32> -> vector<16xi32>
        %lt3A_1120 = arith.constant 0 : i32
        %lt3A_1121 = vector.broadcast %lt3A_1120 : i32 to vector<16xi32>
        %lt3A_1122 = arith.cmpi slt, %broadcast_in_dim3A_48, %lt3A_1121 : vector<16xi32>
        %add3A_1123 = arith.constant 16 : i32
        %add3A_1124 = vector.broadcast %add3A_1123 : i32 to vector<16xi32>
        %add3A_1125 = arith.addi %broadcast_in_dim3A_48, %add3A_1124 : vector<16xi32>
        %select_n3A_1126 = arith.select %lt3A_1122, %add3A_1125, %broadcast_in_dim3A_48 : vector<16xi1>, vector<16xi32>
        %broadcast_in_dim3A_1127 = vector.shape_cast %select_n3A_1126 : vector<16xi32> to vector<16x1xi32>
        %gather3A_1128 = vector.shape_cast %broadcast_in_dim3A_1127 : vector<16x1xi32> to vector<16xi32>
        %gather3A_1129 = tpu.dynamic_gather %select_n3A_894[%gather3A_1128] in [0] : vector<16xi32>, vector<16xi32> -> vector<16xi32>
        %max3A_1130 = arith.maxsi %masked_cummax3A_754, %gather3A_1119 : vector<16xi32>
        %add3A_1131 = arith.addi %masked_cumsum3A_757, %gather3A_1129 : vector<16xi32>
        %and3A_1132 = arith.andi %add3A_1131, %broadcast_in_dim3A_6 : vector<16xi32>
        %xor3A_1133 = arith.xori %gather3A_741, %and3A_1132 : vector<16xi32>
        %swap3A_1134 = arith.constant 97 : index
        %swap3A_1135 = tpu.vector_load %arg7[%swap3A_1134] {strides = array<i32>} : memref<144xi32, #tpu.memory_space<vmem>>, vector<16xi32>,
        tpu.vector_store %arg7[%swap3A_1134], %xor3A_1133 {strides = array<i32>} : memref<144xi32, #tpu.memory_space<vmem>>, vector<16xi32>,
        %add3A_1136 = arith.addi %max3A_1130, %broadcast_in_dim3A_6 : vector<16xi32>
        %gather3A_1137 = tpu.vector_load_idx %arg7[%add3A_1136] : memref<144xi32, #tpu.memory_space<vmem>>[vector<16xi32>], vector<16xi32>,
        %xor3A_1138 = arith.xori %gather3A_1137, %and3A_1132 : vector<16xi32>
        %convert_element_type3A_1139 = arith.sitofp %xor3A_1138 : vector<16xi32> to vector<16xf32>
        %add3A_1140 = arith.constant 96 : i32
        %add3A_1141 = arith.addi %mul3A_66, %add3A_1140 : i32
        %add3A_1142 = arith.constant 1 : i32
        %add3A_1143 = arith.addi %add3A_1141, %add3A_1142 : i32
        %swap3A_1144 = arith.index_cast %add3A_1143 : i32 to index
        %swap3A_1145 = tpu.vector_load %arg5[%swap3A_1144] {strides = array<i32>} : memref<18720xf32, #tpu.memory_space<vmem>>, vector<16xf32>,
        tpu.vector_store %arg5[%swap3A_1144], %convert_element_type3A_1139 {strides = array<i32>} : memref<18720xf32, #tpu.memory_space<vmem>>, vector<16xf32>,
        %lt3A_1146 = arith.constant 0 : i32
        %lt3A_1147 = vector.broadcast %lt3A_1146 : i32 to vector<16xi32>
        %lt3A_1148 = arith.cmpi slt, %broadcast_in_dim3A_50, %lt3A_1147 : vector<16xi32>
        %add3A_1149 = arith.constant 16 : i32
        %add3A_1150 = vector.broadcast %add3A_1149 : i32 to vector<16xi32>
        %add3A_1151 = arith.addi %broadcast_in_dim3A_50, %add3A_1150 : vector<16xi32>
        %select_n3A_1152 = arith.select %lt3A_1148, %add3A_1151, %broadcast_in_dim3A_50 : vector<16xi1>, vector<16xi32>
        %broadcast_in_dim3A_1153 = vector.shape_cast %select_n3A_1152 : vector<16xi32> to vector<16x1xi32>
        %gather3A_1154 = vector.shape_cast %broadcast_in_dim3A_1153 : vector<16x1xi32> to vector<16xi32>
        %gather3A_1155 = tpu.dynamic_gather %select_n3A_893[%gather3A_1154] in [0] : vector<16xi32>, vector<16xi32> -> vector<16xi32>
        %lt3A_1156 = arith.constant 0 : i32
        %lt3A_1157 = vector.broadcast %lt3A_1156 : i32 to vector<16xi32>
        %lt3A_1158 = arith.cmpi slt, %broadcast_in_dim3A_50, %lt3A_1157 : vector<16xi32>
        %add3A_1159 = arith.constant 16 : i32
        %add3A_1160 = vector.broadcast %add3A_1159 : i32 to vector<16xi32>
        %add3A_1161 = arith.addi %broadcast_in_dim3A_50, %add3A_1160 : vector<16xi32>
        %select_n3A_1162 = arith.select %lt3A_1158, %add3A_1161, %broadcast_in_dim3A_50 : vector<16xi1>, vector<16xi32>
        %broadcast_in_dim3A_1163 = vector.shape_cast %select_n3A_1162 : vector<16xi32> to vector<16x1xi32>
        %gather3A_1164 = vector.shape_cast %broadcast_in_dim3A_1163 : vector<16x1xi32> to vector<16xi32>
        %gather3A_1165 = tpu.dynamic_gather %select_n3A_894[%gather3A_1164] in [0] : vector<16xi32>, vector<16xi32> -> vector<16xi32>
        %max3A_1166 = arith.maxsi %masked_cummax3A_854, %gather3A_1155 : vector<16xi32>
        %add3A_1167 = arith.addi %masked_cumsum3A_857, %gather3A_1165 : vector<16xi32>
        %and3A_1168 = arith.andi %add3A_1167, %broadcast_in_dim3A_6 : vector<16xi32>
        %xor3A_1169 = arith.xori %gather3A_841, %and3A_1168 : vector<16xi32>
        %swap3A_1170 = arith.constant 113 : index
        %swap3A_1171 = tpu.vector_load %arg7[%swap3A_1170] {strides = array<i32>} : memref<144xi32, #tpu.memory_space<vmem>>, vector<16xi32>,
        tpu.vector_store %arg7[%swap3A_1170], %xor3A_1169 {strides = array<i32>} : memref<144xi32, #tpu.memory_space<vmem>>, vector<16xi32>,
        %add3A_1172 = arith.addi %max3A_1166, %broadcast_in_dim3A_6 : vector<16xi32>
        %gather3A_1173 = tpu.vector_load_idx %arg7[%add3A_1172] : memref<144xi32, #tpu.memory_space<vmem>>[vector<16xi32>], vector<16xi32>,
        %xor3A_1174 = arith.xori %gather3A_1173, %and3A_1168 : vector<16xi32>
        %convert_element_type3A_1175 = arith.sitofp %xor3A_1174 : vector<16xi32> to vector<16xf32>
        %add3A_1176 = arith.constant 112 : i32
        %add3A_1177 = arith.addi %mul3A_66, %add3A_1176 : i32
        %add3A_1178 = arith.constant 1 : i32
        %add3A_1179 = arith.addi %add3A_1177, %add3A_1178 : i32
        %swap3A_1180 = arith.index_cast %add3A_1179 : i32 to index
        %swap3A_1181 = tpu.vector_load %arg5[%swap3A_1180] {strides = array<i32>} : memref<18720xf32, #tpu.memory_space<vmem>>, vector<16xf32>,
        tpu.vector_store %arg5[%swap3A_1180], %convert_element_type3A_1175 {strides = array<i32>} : memref<18720xf32, #tpu.memory_space<vmem>>, vector<16xf32>,
      }
      %scan3A_63 = arith.constant 128 : i32
      "tpu.region"() ({
        %run_scoped3A = tpu.sem_alloc : memref<!tpu.dma_semaphore, #tpu.memory_space<semaphore_mem>>
        tpu.enqueue_dma source(%arg5 : memref<18720xf32, #tpu.memory_space<vmem>>) target(%arg4 : memref<18720xf32, #tpu.memory_space<hbm>>) target_semaphore(%run_scoped3A : memref<!tpu.dma_semaphore, #tpu.memory_space<semaphore_mem>>)
        tpu.wait_dma2 semaphore(%run_scoped3A : memref<!tpu.dma_semaphore, #tpu.memory_space<semaphore_mem>>) src(%arg5 : memref<18720xf32, #tpu.memory_space<vmem>>) dst(%arg4 : memref<18720xf32, #tpu.memory_space<hbm>>)
        tpu.yield
      }) : () -> ()
    } else {
    }
    return
  }
}

</mosaic_0001>

<sc_bundles>
// kernel: kernel.3.cloned.1.call-start
scs
__scs_entry_jumppad:
0x0: {  	(pc) =	sbr.rel $0x88, $3  }
0x1: {  	(tag) =	ssettag $0x0;
	lr =	simm.s32 $0x1  }
0x2: {  	[smem:$0x3F9F] =	sst lr;
	_ =	strace $0xD0000000  }
0x3: {  	_ = 	snop  }
0x4: {  	_ = 	snop  }
0x5: {  	_ = 	snop  }
0x6: {  	_ = 	snop  }
0x7: {  	_ = 	snop  }
__scs_overlays_trampoline_lowered:
0x8: {  	[smem:$0x3FAE] =	sst s0  }
0x9: {  	[smem:$0x3FAF] =	sst s1  }
0xa: {  	[smem:$0x3FB0] =	sst s2  }
0xb: {  	[smem:$0x3FB1] =	sst s3  }
0xc: {  	[smem:$0x3FB2] =	sst s4  }
0xd: {  	[smem:$0x3FB3] =	sst s5  }
0xe: {  	[smem:$0x3FB4] =	sst s6  }
0xf: {  	[smem:$0x3FB5] =	sst s7  }
0x10: {  	[smem:$0x3FB6] =	sst s8  }
0x11: {  	[smem:$0x3FB7] =	sst s9;
	s0 =	simm.s32 @!p0 $0x0  }
0x12: {  	s1 =	sld [smem:$0x3F9D];
	s0 =	simm.s32 @p0 $0x1  }
0x13: {  	[smem:$0x3FB8] =	sst s0;
	s0 =	simm.s32 @!p1 $0x0  }
0x14: {  	s2 =	sld [smem:$0x3F9C];
	s0 =	simm.s32 @p1 $0x1  }
0x15: {  	[smem:$0x3FB9] =	sst s0;
	s0 =	simm.s32 @!p2 $0x0  }
0x16: {  	s3 =	sld [smem:$0x3FDB];
	s0 =	simm.s32 @p2 $0x1  }
0x17: {  	s4 =	simm.s32 $0x1BF5;
	[smem:$0x3FBB] =	sst s0  }
0x18: {  	s0 =	sld [smem:$0x3F9E];
	_ =	swait.ge [sflag:s4], $0x0  }
0x19: {  	s7 =	sld [smem:$0x3F9F]  }
0x1a: {  	s8 =	sadd.s32 $0xFFFFE003, lr  }
0x1b: {  	s9 =	sadd.s32 $0xFFFFFEF7, lr;
	s5 =	simm.s32 $0xFFFFFFFF;
	p2 =	slt.u32 s8, $0xFFFFF086  }
0x1c: {  	p1 =	slt.u32 s9, $0xF7A;
	s5 =	simm.s32 @!p2 $0x0  }
0x1d: {  	s5 =	simm.s32 @p1 $0x1;
	p0 =	seq.s32 s7, s2  }
0x1e: {  	s7 =	smul.u32 @!p0 $0xF7A, s2;
	p2 =	seq.s32 @!p0 s5, $0x0  }
0x1f: {  	s9 =	smul.u32 $0xF7A, s1;
	s8 =	simm.s32 @!p0 $0x1BF5;
	p2 =	por !p2, p0  }
0x20: {  	[sflag:s8] =	ssyncset.s32 @!p0 $0xFFFFF086;
	s6 =	sadd.s32 @!p0 s3, s7;
	s7 =	simm.s32 @!p0 $0x108  }
0x21: {  	s3 =	sadd.s32 s3, s9;
	s6 =	sadd.s32 @!p0 $0x88, s6;
	s7 =	simm.s32 @p2 $0x1082  }
0x22: {  	[simem:s7], [sflag:s8] =	dma.local @!p0 [hbm:s6], $0xF7A  }
0x23: {  	s9 =	sor.u32 $0xD0000000, s2;
	s6 =	simm.s32 $0x108;
	_ =	swait.ge @!p0 [sflag:s8], $0x0  }
0x24: {  	s3 =	sadd.s32 $0x88, s3;
	s6 =	simm.s32 @!p1 $0x1082;
	[sflag:s4] =	ssyncset.s32 $0xFFFFF086  }
0x25: {  	[simem:s6], [sflag:s4] =	dma.local [hbm:s3], $0xF7A  }
0x26: {  	[smem:$0x3F9F] =	sst s1;
	(tag) =	ssettag s2;
	_ =	strace s9  }
0x27: {  	s1 =	sld [smem:$0x3FAF]  }
0x28: {  	s2 =	sld [smem:$0x3FB0]  }
0x29: {  	s4 =	sld [smem:$0x3FB2]  }
0x2a: {  	p0 =	seq.s32 s5, $0x0;
	s5 =	sld [smem:$0x3FB3]  }
0x2b: {  	s6 =	sld [smem:$0x3FB4]  }
0x2c: {  	s7 =	sld [smem:$0x3FB5]  }
0x2d: {  	s3 =	simm.s32 $0x108;
	s8 =	sld [smem:$0x3FB6]  }
0x2e: {  	s3 =	simm.s32 @!p0 $0x1082;
	s9 =	sld [smem:$0x3FB7]  }
0x2f: {  	lr =	sadd.s32 s0, s3;
	s0 =	sld [smem:$0x3FAE]  }
0x30: {  	s3 =	sld [smem:$0x3FB1]  }
0x31: {  	[smem:$0x3FBA] =	sst s10  }
0x32: {  	s10 =	sld [smem:$0x3FB8];
	_ =	sdelay $0x3  }
0x33: {  	p0 =	seq.s32 s10, $0x1;
	s10 =	sld [smem:$0x3FBA];
	_ =	sdelay $0x3  }
0x34: {  	[smem:$0x3FBA] =	sst s10  }
0x35: {  	s10 =	sld [smem:$0x3FB9];
	_ =	sdelay $0x3  }
0x36: {  	p1 =	seq.s32 s10, $0x1;
	s10 =	sld [smem:$0x3FBA];
	_ =	sdelay $0x3  }
0x37: {  	[smem:$0x3FBA] =	sst s10  }
0x38: {  	s10 =	sld [smem:$0x3FBB]  }
0x39: {  	_ = 	snop;
	(pc) =	sbr.ind lr, $3  }
0x3a: {  	_ = 	snop  }
0x3b: {  	_ = 	snop  }
0x3c: {  	p2 =	seq.s32 s10, $0x1;
	s10 =	sld [smem:$0x3FBA]  }
0x3d: {  	_ =	shalt  }
0x3e: {  	_ =	shalt  }
0x3f: {  	_ =	shalt  }
0x40: {  	_ =	shalt  }
0x41: {  	_ =	shalt  }
0x42: {  	_ =	shalt  }
0x43: {  	_ =	shalt  }
0x44: {  	_ =	shalt  }
0x45: {  	_ =	shalt  }
0x46: {  	_ =	shalt  }
0x47: {  	_ =	shalt  }
0x48: {  	_ =	shalt  }
0x49: {  	_ =	shalt  }
0x4a: {  	_ =	shalt  }
0x4b: {  	_ =	shalt  }
0x4c: {  	_ =	shalt  }
0x4d: {  	_ =	shalt  }
0x4e: {  	_ =	shalt  }
0x4f: {  	_ =	shalt  }
0x50: {  	_ =	shalt  }
0x51: {  	_ =	shalt  }
0x52: {  	_ =	shalt  }
0x53: {  	_ =	shalt  }
0x54: {  	_ =	shalt  }
0x55: {  	_ =	shalt  }
0x56: {  	_ =	shalt  }
0x57: {  	_ =	shalt  }
0x58: {  	_ =	shalt  }
0x59: {  	_ =	shalt  }
0x5a: {  	_ =	shalt  }
0x5b: {  	_ =	shalt  }
0x5c: {  	_ =	shalt  }
0x5d: {  	_ =	shalt  }
0x5e: {  	_ =	shalt  }
0x5f: {  	_ =	shalt  }
0x60: {  	_ =	shalt  }
0x61: {  	_ =	shalt  }
0x62: {  	_ =	shalt  }
0x63: {  	_ =	shalt  }
0x64: {  	_ =	shalt  }
0x65: {  	_ =	shalt  }
0x66: {  	_ =	shalt  }
0x67: {  	_ =	shalt  }
0x68: {  	_ =	shalt  }
0x69: {  	_ =	shalt  }
0x6a: {  	_ =	shalt  }
0x6b: {  	_ =	shalt  }
0x6c: {  	_ =	shalt  }
0x6d: {  	_ =	shalt  }
0x6e: {  	_ =	shalt  }
0x6f: {  	_ =	shalt  }
0x70: {  	_ =	shalt  }
0x71: {  	_ =	shalt  }
0x72: {  	_ =	shalt  }
0x73: {  	_ =	shalt  }
0x74: {  	_ =	shalt  }
0x75: {  	_ =	shalt  }
0x76: {  	_ =	shalt  }
0x77: {  	_ =	shalt  }
0x78: {  	_ =	shalt  }
0x79: {  	_ =	shalt  }
0x7a: {  	_ =	shalt  }
0x7b: {  	_ =	shalt  }
0x7c: {  	_ =	shalt  }
0x7d: {  	_ =	shalt  }
0x7e: {  	_ =	shalt  }
0x7f: {  	_ =	shalt  }
0x80: {  	_ =	shalt  }
0x81: {  	_ =	shalt  }
0x82: {  	_ =	shalt  }
0x83: {  	_ =	shalt  }
0x84: {  	_ =	shalt  }
0x85: {  	_ =	shalt  }
0x86: {  	_ =	shalt  }
0x87: {  	_ =	shalt  }
.Lfunc_end0:
.L_simem_size_0:
called_computation_lowered:
.L_overlay_start_0:
0x88: {  	s2 =	sld [smem:$0x3FD9]  }
0x89: {  	s3 =	sld [smem:$0x3FFE];
	_ =	sdelay $0x1  }
0x8a: {  	s1 =	srdreg.scid  }
0x8b: {  	s0 =	sand.u32 $0x1, s1  }
0x8c: {  	s17 =	sshll.u32 s0, $0xA;
	s2 =	sadd.s32 s3, s2  }
0x8d: {  	s2 =	sadd.s32 s2, s17  }
0x8e: {  	[smem:$0x3FC6] =	sst s2  }
0x8f: {  	_ = 	snop  }
0x90: {  	s2 =	sld [smem:$0x3FD0];
	(tm) =	ssettm $0x1  }
0x91: {  	s18 =	sld [smem:$0x3FFB];
	_ =	sdelay $0x3  }
0x92: {  	_ =	strace s18  }
0x93: {  	s3 =	sld [smem:$0x3FFC];
	_ =	sdelay $0x3  }
0x94: {  	_ =	strace s3  }
0x95: {  	s3 =	sld [smem:$0x3FFD];
	_ =	sdelay $0x3  }
0x96: {  	_ =	strace s3  }
0x97: {  	_ =	strace $0x8FFFFFFF  }
0x98: {  	s19 =	sld [smem:$0x3FDB];
	_ =	sdelay $0x1  }
0x99: {  	s4 =	simm.s32 $_scs_section_size  }
0x9a: {  	s5 =	simm.s32 $_size__tile_overlayer_lowered;
	s6 =	simm.s32 $_tile_overlayer_lowered  }
0x9b: {  	s22 =	simm.s32 $0x1BFF;
	s21 =	sshll.u32 s6, $0x1;
	s3 =	sadd.s32 s4, s19  }
0x9c: {  	s7 =	simm.s32 $0x0;
	s20 =	sshll.u32 s5, $0x1;
	s5 =	sadd.s32 s21, s3  }
0x9d: {  	[timem:s7], [sflag:s22] =	dma.local [hbm:s5], s20  }
0x9e: {  	_ =	swait.ge [sflag:s22], s20  }
0x9f: {  	s4 =	ssub.s32 $0x0, s20;
	[sflag:s22] =	ssyncset.done $0x0  }
0xa0: {  	[sflag:s22] =	ssyncadd.s32 s4;
	_ =	sdelay $0x1  }
0xa1: {  	s23 =	simm.s32 $0x1B8B  }
0xa2: {  	_ =	swait.ge [sflag:s23], $0x1  }
0xa3: {  	[sflag:s23] =	ssyncset.done $0x0  }
0xa4: {  	s25 =	simm.s32 $0x1B8E;
	s24 =	sld [smem:$0x3FFE];
	[sflag:s23] =	ssyncadd.s32 $0xFFFFFFFF  }
0xa5: {  	s26 =	simm.s32 $execute0_lowered;
	[smem:$0x3FD2] =	sst s25  }
0xa6: {  	s5 =	sshll.u32 s26, $0x1;
	_ =	strace $0x80000046;
	[dreg:$0x1] =	wrdreg $0xFFFFFFFF  }
0xa7: {  	s28 =	simm.s32 $_size_execute0_lowered;
	s3 =	sadd.s32 s3, s5;
	[dreg:$0x0] =	wrdreg $0x0  }
0xa8: {  	s5 =	sshll.u32 s28, $0x1;
	[dreg:$0x2] =	wrdreg s3  }
0xa9: {  	[dreg:$0x3] =	wrdreg s5  }
0xaa: {  	[dreg:$0x4] =	wrdreg $0xC0  }
0xab: {  	_ =	task [dreg:s7], $0x5FFFF  }
0xac: {  	[dreg:$0x1] =	wrdreg $0xFFFFFFFF  }
0xad: {  	[dreg:$0x0] =	wrdreg $0x60  }
0xae: {  	[dreg:$0x2] =	wrdreg s24  }
0xaf: {  	[dreg:$0x3] =	wrdreg s2  }
0xb0: {  	[dreg:$0x4] =	wrdreg $0x9  }
0xb1: {  	_ =	task.clear_ibuf [dreg:s7], $0x5FFFF;
	_ =	strace $0x90000046  }
0xb2: {  	s29 =	simm.s32 $0x9;
	_ =	strace $0x80000048  }
0xb3: {  	_ =	swait.ge [sflag:s29], $0x1  }
0xb4: {  	[sflag:s29] =	ssyncadd.s32 $0xFFFFFFFF  }
0xb5: {  	_ =	strace $0x90000048  }
0xb6: {  	_ =	sfence  }
0xb7: {  	s30 =	sld [smem:$0x0];
	_ =	sdelay $0x2  }
0xb8: {  	s31 =	sshll.u32 s1, $0xD;
	s1 =	sshrl.u32 s1, $0x2  }
0xb9: {  	s3 =	sand.u32 $0x4000, s31;
	s1 =	sadd.s32 s1, s30  }
0xba: {  	s0 =	sor.u32 s3, s0;
	s1 =	sshll.u32 s1, $0x11  }
0xbb: {  	s0 =	sor.u32 s1, s0  }
0xbc: {  	s0 =	sadd.s32 $0x8F2B, s0  }
0xbd: {  	[sflag:s0] =	ssyncadd.remote.s32 $0x1  }
0xbe: {  	_ =	sfence.sel $0xFFFF  }
0xbf: {  	[dreg:$0x0] =	wrdreg $0xFFFFFFFF;
	(pc) =	sbr.abs _section_cstart, $3  }
0xc0: {  	[dreg:$0x1] =	wrdreg $0xFFFFFFFF  }
0xc1: {  	_ =	task.clear_ibuf [dreg:s7], $0x2FFFF;
	_ =	strace $0x9FFFFFFF  }
0xc2: {  	(tm) =	ssettm $0x7FFFFFFF  }
0xc3: {  	_ =	shalt  }
tec
execute0_lowered:
.L_overlay_start_1:
0x0: {  	(tag) =	ssettag $0x1  }
0x1: {  	s0 =	srdreg.scid  }
0x2: {  	s3 =	sand.u32 $0x1, s0;
	s0 =	stileid.u32  }
0x3: {  	s5 =	sor.u32 s0, s3  }
0x4: {  	p0 =	sne.s32 s5, $0x0  }
.Ltmp0:
0x5: {  	_ = 	snop;
	(pc) =	sbr.rel @p0 .LBB2_5-.Ltmp0, $4  }
0x6: {  	_ = 	snop  }
0x7: {  	s4 =	rddreg [dreg:$0x0]  }
0x8: {  	s2 =	rddreg [dreg:$0x1]  }
0x9: {  	s1 =	rddreg [dreg:$0x2];
	_ =	strace $0x80000047  }
0xa: {  	v0 =	vimm.s32 $0x0;
	v1 =	vimm.s32 $0x2;
	v2 =	vlaneseq.u32  }
0xb: {  	v9 =	vimm.s32 $0xEDCBA987;
	v10 =	vimm.s32 $0x65432100;
	v12 =	vimm.s32 $0x3F2F1F0F  }
0xc: {  	v13 =	vimm.s32 $0x7F6F5F4F;
	vm0 =	vcmask $0xF00;
	vm15 =	vcmask $0x1F10  }
0xd: {  	v16 =	vimm.s32 $0x5;
	v17 =	vimm.s32 $0x6;
	v18 =	vimm.s32 $0x7  }
0xe: {  	v3 =	vor.u32 $0x80000000, v2;
	v4 =	vor.u32 $0x80000010, v2;
	v5 =	vor.u32 $0x80000020, v2  }
0xf: {  	v6 =	vor.u32 $0x80000030, v2;
	v7 =	vor.u32 $0x80000040, v2;
	v11 =	vunpack.c.l.s4.s8 v9  }
0x10: {  	v8 =	vor.u32 $0x80000050, v2;
	v10 =	vunpack.c.l.s4.s8 v10;
	v12 =	vunpack.c.0.s8.s32 v12  }
0x11: {  	s5 =	ssub.s32 $0x2, s3;
	s3 =	sadd.s32 $0x600, s4;
	s4 =	sadd.s32 $0x1000, s4;
	v9 =	vor.u32 $0x80000060, v2;
	v13 =	vunpack.c.0.s8.s32 v13;
	v11 =	vunpack.c.0.s8.s32 v11  }
0x12: {  	s7 =	simm.s32 $0x1;
	s8 =	simm.s32 $0x4980;
	s9 =	simm.s32 $0x4B00;
	v14 =	vunpack.c.0.s8.s32 v10;
	v12 =	vnsel vm0, $0x7F, v12;
	v10 =	vor.u32 $0x80000070, v2  }
0x13: {  	s10 =	simm.s32 $0x4B80;
	s11 =	simm.s32 $0x4A00;
	s6 =	sshrl.u32 s5, $0x1;
	v15 =	vand.u32 $0xF, v11;
	v11 =	vsel vm15, v13, v12;
	v13 =	vimm.s32 $0x1  }
0x14: {  	s12 =	simm.s32 $0x0;
	s5 =	ssub.s32 s5, s6;
	s6 =	simm.s32 $0x0;
	v12 =	vcombine.low v14, v15;
	v14 =	vimm.s32 $0x3;
	v15 =	vimm.s32 $0x4  }
.LBB2_2:
0x15: {  	[tilespmem:s6], [sflag:$0x1] =	stream.linear.gather [hbm4b:s3+s6], $0x4980, $0x38;
	[tilespmem:$0x4C00] =	vst v63  }
0x16: {  	_ =	swait.ge [sflag:s7], $0x4980  }
0x17: {  	[sflag:s7] =	ssyncset.done $0x0  }
0x18: {  	[sflag:s7] =	ssyncadd.s32 $0xFFFFB680  }
0x19: {  	[tilespmem:s8], [sflag:$0x1] =	stream.linear.gather [hbm4b:s2+s6], $0x80, $0x38;
	[tilespmem:$0x4C00] =	vst v63  }
0x1a: {  	_ =	swait.ge [sflag:s7], $0x80  }
0x1b: {  	[sflag:s7] =	ssyncset.done $0x0  }
0x1c: {  	[sflag:s7] =	ssyncadd.s32 $0xFFFFFF80  }
0x1d: {  	s13 =	simm.s32 $0x90;
	s14 =	simm.s32 $0xD1;
	[tilespmem:$0x4A00] =	vst v0  }
.LBB2_3:
0x1e: {  	v19 =	vld [tilespmem:s14+$0xFFFFFF30]  }
0x1f: {  	v20 =	vld [tilespmem:s14+$0xFFFFFF2F]  }
0x20: {  	v21 =	vld [tilespmem:s14+$0xFFFFFFC1]  }
0x21: {  	v22 =	vld [tilespmem:s14+$0xFFFFFF31]  }
0x22: {  	v23 =	vld [tilespmem:s14+$0x50]  }
0x23: {  	v24 =	vld [tilespmem:s14+$0x51]  }
0x24: {  	v25 =	vld [tilespmem:s14+$0x4F]  }
0x25: {  	v26 =	vadd.f32 v21, v19;
	_ =	sdelay $0x1  }
0x26: {  	v27 =	vld [tilespmem:s14+$0xFFFFFFC0];
	v22 =	vmul.f32 v22, v19;
	v26 =	vadd.f32 v23, v26  }
0x27: {  	v24 =	vmul.f32 v24, v23;
	v19 =	vmul.f32 v20, v19  }
0x28: {  	v20 =	vmul.f32 v25, v23;
	v22 =	vmul.f32 v21, v22;
	v26 =	vsub.f32 $1.000000000e+00, v26;
	_ =	sdelay $0x1  }
0x29: {  	v21 =	vmul.f32 v24, v21;
	v19 =	vadd.f32 v20, v19;
	v22 =	vadd.f32 v26, v22  }
0x2a: {  	v20 =	vsub.f32 $1.000000000e+00, v27  }
0x2b: {  	v19 =	vadd.f32 $-1.000000000e+00, v19;
	v21 =	vadd.f32 v21, v22  }
0x2c: {  	v20 =	vsub.f32 v20, v27  }
0x2d: {  	v61 =	vtrunc.f32 v27;
	v19 =	vadd.f32 v21, v19  }
0x2e: {  	v62 =	vcvt.f32.s32 v61;
	vm0 =	veq.f32 v21, v20  }
0x2f: {  	vm1 =	veq.f32 v19, v20;
	v19 =	vsel vm0, $0x2, v0  }
0x30: {  	v19 =	vadd.s32 v62, v19;
	v20 =	vsel vm1, $0x2, v0  }
0x31: {  	v20 =	vadd.s32 v62, v20;
	_ =	sdelay $0x3  }
0x32: {  	v19 =	vld.idx.msk [tilespmem:v19+s8+$0x0], $0xffff  }
0x33: {  	v20 =	vld.idx.msk [tilespmem:v20+s8+$0x0], $0xffff;
	_ =	sdelay $0x4  }
0x34: {  	vm9 =	veq.s32 v19, v20  }
0x35: {  	v20 =	vnsel vm9, $0x7FFFFFFF, v3  }
0x36: {  	(xrf0) =	vmax.scan.msk.u32 $0xffff, v20  }
0x37: {  	v20 =	vsel vm9, $0x0, v19  }
0x38: {  	(xrf0) =	vadd.scan.msk.s32 $0xffff, v20;
	_ =	sdelay $0x3  }
0x39: {  	v20, _, _ =	vpop (xrf0)  }
0x3a: {  	v21 =	vxor.u32 $0x80000000, v20  }
0x3b: {  	v20, _, _ =	vpop (xrf0);
	[tilespmem:$0x4B00] =	vst v21  }
0x3c: {  	[tilespmem:$0x4B80] =	vst v20  }
0x3d: {  	s15 =	sand.u32 $0xFFF0, s13;
	v63 =	vld [tilespmem:s14+$0xFFFFFF40]  }
0x3e: {  	v33 =	vld [tilespmem:s15+$0xFFFFFF80]  }
0x3f: {  	v34 =	vld [tilespmem:s14+$0xFFFFFFD1]  }
0x40: {  	v35 =	vld [tilespmem:s14+$0xFFFFFF41]  }
0x41: {  	v36 =	vld [tilespmem:s14+$0x60]  }
0x42: {  	v37 =	vld [tilespmem:s14+$0x61]  }
0x43: {  	v28 =	vld [tilespmem:s14+$0x5F]  }
0x44: {  	v29 =	vadd.f32 v34, v63;
	_ =	sdelay $0x1  }
0x45: {  	v30 =	vld [tilespmem:s14+$0xFFFFFFD0];
	v25 =	vmul.f32 v35, v63;
	v29 =	vadd.f32 v36, v29  }
0x46: {  	v27 =	vmul.f32 v37, v36;
	v22 =	vmul.f32 v33, v63  }
0x47: {  	v38 =	vmul.f32 v28, v36;
	v25 =	vmul.f32 v34, v25;
	v29 =	vsub.f32 $1.000000000e+00, v29;
	_ =	sdelay $0x1  }
0x48: {  	v24 =	vmul.f32 v27, v34;
	v22 =	vadd.f32 v38, v22;
	v25 =	vadd.f32 v29, v25  }
0x49: {  	v39 =	vsub.f32 $1.000000000e+00, v30  }
0x4a: {  	v22 =	vadd.f32 $-1.000000000e+00, v22;
	v24 =	vadd.f32 v24, v25  }
0x4b: {  	v23 =	vsub.f32 v39, v30  }
0x4c: {  	v40 =	vtrunc.f32 v30;
	v22 =	vadd.f32 v24, v22  }
0x4d: {  	v41 =	vcvt.f32.s32 v40;
	vm10 =	veq.f32 v24, v23  }
0x4e: {  	v42 =	vsel vm10, $0x2, v0;
	vm11 =	veq.f32 v22, v23  }
0x4f: {  	v22 =	vadd.s32 v41, v42;
	v23 =	vsel vm11, $0x2, v0  }
0x50: {  	v23 =	vadd.s32 v41, v23;
	_ =	sdelay $0x3  }
0x51: {  	v22 =	vld.idx.msk [tilespmem:v22+s8+$0x0], $0xffff  }
0x52: {  	v23 =	vld.idx.msk [tilespmem:v23+s8+$0x0], $0xffff;
	_ =	sdelay $0x4  }
0x53: {  	vm12 =	veq.s32 v22, v23  }
0x54: {  	v23 =	vnsel vm12, $0x7FFFFFFF, v4  }
0x55: {  	(xrf0) =	vmax.scan.msk.u32 $0xffff, v23  }
0x56: {  	v43 =	vsel vm12, $0x0, v22  }
0x57: {  	(xrf0) =	vadd.scan.msk.s32 $0xffff, v43;
	_ =	sdelay $0x3  }
0x58: {  	v44, _, _ =	vpop (xrf0)  }
0x59: {  	v24 =	vxor.u32 $0x80000000, v44  }
0x5a: {  	v23, _, _ =	vpop (xrf0);
	[tilespmem:$0x4B10] =	vst v24  }
0x5b: {  	[tilespmem:$0x4B90] =	vst v23  }
0x5c: {  	v45 =	vld [tilespmem:s14+$0xFFFFFF50]  }
0x5d: {  	v46 =	vld [tilespmem:s14+$0xFFFFFF4F]  }
0x5e: {  	v47 =	vld [tilespmem:s14+$0xFFFFFFE1]  }
0x5f: {  	v48 =	vld [tilespmem:s14+$0xFFFFFF51]  }
0x60: {  	v49 =	vld [tilespmem:s14+$0x70]  }
0x61: {  	v50 =	vld [tilespmem:s14+$0x71]  }
0x62: {  	v31 =	vld [tilespmem:s14+$0x6F]  }
0x63: {  	v32 =	vadd.f32 v47, v45;
	_ =	sdelay $0x1  }
0x64: {  	v33 =	vld [tilespmem:s14+$0xFFFFFFE0];
	v28 =	vmul.f32 v48, v45;
	v32 =	vadd.f32 v49, v32  }
0x65: {  	v30 =	vmul.f32 v50, v49;
	v25 =	vmul.f32 v46, v45  }
0x66: {  	v51 =	vmul.f32 v31, v49;
	v28 =	vmul.f32 v47, v28;
	v32 =	vsub.f32 $1.000000000e+00, v32;
	_ =	sdelay $0x1  }
0x67: {  	v27 =	vmul.f32 v30, v47;
	v25 =	vadd.f32 v51, v25;
	v28 =	vadd.f32 v32, v28  }
0x68: {  	v52 =	vsub.f32 $1.000000000e+00, v33  }
0x69: {  	v25 =	vadd.f32 $-1.000000000e+00, v25;
	v27 =	vadd.f32 v27, v28  }
0x6a: {  	v26 =	vsub.f32 v52, v33  }
0x6b: {  	v53 =	vtrunc.f32 v33;
	v25 =	vadd.f32 v27, v25  }
0x6c: {  	v54 =	vcvt.f32.s32 v53;
	vm13 =	veq.f32 v27, v26  }
0x6d: {  	v55 =	vsel vm13, $0x2, v0;
	vm14 =	veq.f32 v25, v26  }
0x6e: {  	v25 =	vadd.s32 v54, v55;
	v26 =	vsel vm14, $0x2, v0  }
0x6f: {  	v26 =	vadd.s32 v54, v26;
	_ =	sdelay $0x3  }
0x70: {  	v25 =	vld.idx.msk [tilespmem:v25+s8+$0x0], $0xffff  }
0x71: {  	v26 =	vld.idx.msk [tilespmem:v26+s8+$0x0], $0xffff;
	_ =	sdelay $0x4  }
0x72: {  	vm15 =	veq.s32 v25, v26  }
0x73: {  	v26 =	vnsel vm15, $0x7FFFFFFF, v5  }
0x74: {  	(xrf0) =	vmax.scan.msk.u32 $0xffff, v26  }
0x75: {  	v56 =	vsel vm15, $0x0, v25  }
0x76: {  	(xrf0) =	vadd.scan.msk.s32 $0xffff, v56;
	_ =	sdelay $0x3  }
0x77: {  	v57, _, _ =	vpop (xrf0)  }
0x78: {  	v27 =	vxor.u32 $0x80000000, v57  }
0x79: {  	v26, _, _ =	vpop (xrf0);
	[tilespmem:$0x4B20] =	vst v27  }
0x7a: {  	[tilespmem:$0x4BA0] =	vst v26  }
0x7b: {  	v58 =	vld [tilespmem:s14+$0xFFFFFF60]  }
0x7c: {  	v59 =	vld [tilespmem:s14+$0xFFFFFF5F]  }
0x7d: {  	v60 =	vld [tilespmem:s14+$0xFFFFFFF1]  }
0x7e: {  	v61 =	vld [tilespmem:s14+$0xFFFFFF61]  }
0x7f: {  	v62 =	vld [tilespmem:s14+$0x80]  }
0x80: {  	v63 =	vld [tilespmem:s14+$0x81]  }
0x81: {  	v34 =	vld [tilespmem:s14+$0x7F]  }
0x82: {  	v35 =	vadd.f32 v60, v58;
	_ =	sdelay $0x1  }
0x83: {  	v36 =	vld [tilespmem:s14+$0xFFFFFFF0];
	v31 =	vmul.f32 v61, v58;
	v35 =	vadd.f32 v62, v35  }
0x84: {  	v33 =	vmul.f32 v63, v62;
	v28 =	vmul.f32 v59, v58  }
0x85: {  	v38 =	vmul.f32 v34, v62;
	v31 =	vmul.f32 v60, v31;
	v35 =	vsub.f32 $1.000000000e+00, v35;
	_ =	sdelay $0x1  }
0x86: {  	v30 =	vmul.f32 v33, v60;
	v28 =	vadd.f32 v38, v28;
	v31 =	vadd.f32 v35, v31  }
0x87: {  	v39 =	vsub.f32 $1.000000000e+00, v36  }
0x88: {  	v28 =	vadd.f32 $-1.000000000e+00, v28;
	v30 =	vadd.f32 v30, v31  }
0x89: {  	v29 =	vsub.f32 v39, v36  }
0x8a: {  	v40 =	vtrunc.f32 v36;
	v28 =	vadd.f32 v30, v28  }
0x8b: {  	v41 =	vcvt.f32.s32 v40;
	vm4 =	veq.f32 v30, v29  }
0x8c: {  	v42 =	vsel vm4, $0x2, v0;
	vm5 =	veq.f32 v28, v29  }
0x8d: {  	v28 =	vadd.s32 v41, v42;
	v29 =	vsel vm5, $0x2, v0  }
0x8e: {  	v29 =	vadd.s32 v41, v29;
	_ =	sdelay $0x3  }
0x8f: {  	v28 =	vld.idx.msk [tilespmem:v28+s8+$0x0], $0xffff  }
0x90: {  	v29 =	vld.idx.msk [tilespmem:v29+s8+$0x0], $0xffff;
	_ =	sdelay $0x4  }
0x91: {  	vm6 =	veq.s32 v28, v29  }
0x92: {  	v29 =	vnsel vm6, $0x7FFFFFFF, v6  }
0x93: {  	(xrf0) =	vmax.scan.msk.u32 $0xffff, v29  }
0x94: {  	v43 =	vsel vm6, $0x0, v28  }
0x95: {  	(xrf0) =	vadd.scan.msk.s32 $0xffff, v43;
	_ =	sdelay $0x3  }
0x96: {  	v44, _, _ =	vpop (xrf0)  }
0x97: {  	v30 =	vxor.u32 $0x80000000, v44  }
0x98: {  	v29, _, _ =	vpop (xrf0);
	[tilespmem:$0x4B30] =	vst v30  }
0x99: {  	[tilespmem:$0x4BB0] =	vst v29  }
0x9a: {  	v45 =	vld [tilespmem:s14+$0xFFFFFF70]  }
0x9b: {  	v46 =	vld [tilespmem:s14+$0xFFFFFF6F]  }
0x9c: {  	v47 =	vld [tilespmem:s14+$0x1]  }
0x9d: {  	v48 =	vld [tilespmem:s14+$0xFFFFFF71]  }
0x9e: {  	v49 =	vld [tilespmem:s14+$0x90]  }
0x9f: {  	v50 =	vld [tilespmem:s14+$0x91]  }
0xa0: {  	v37 =	vld [tilespmem:s14+$0x8F]  }
0xa1: {  	v38 =	vadd.f32 v47, v45;
	_ =	sdelay $0x1  }
0xa2: {  	v39 =	vld [tilespmem:s14+$0x0];
	v34 =	vmul.f32 v48, v45;
	v38 =	vadd.f32 v49, v38  }
0xa3: {  	v36 =	vmul.f32 v50, v49;
	v31 =	vmul.f32 v46, v45  }
0xa4: {  	v51 =	vmul.f32 v37, v49;
	v34 =	vmul.f32 v47, v34;
	v38 =	vsub.f32 $1.000000000e+00, v38;
	_ =	sdelay $0x1  }
0xa5: {  	v33 =	vmul.f32 v36, v47;
	v31 =	vadd.f32 v51, v31;
	v34 =	vadd.f32 v38, v34  }
0xa6: {  	v52 =	vsub.f32 $1.000000000e+00, v39  }
0xa7: {  	v31 =	vadd.f32 $-1.000000000e+00, v31;
	v33 =	vadd.f32 v33, v34  }
0xa8: {  	v32 =	vsub.f32 v52, v39  }
0xa9: {  	v53 =	vtrunc.f32 v39;
	v31 =	vadd.f32 v33, v31  }
0xaa: {  	v54 =	vcvt.f32.s32 v53;
	vm7 =	veq.f32 v33, v32  }
0xab: {  	v55 =	vsel vm7, $0x2, v0;
	vm8 =	veq.f32 v31, v32  }
0xac: {  	v31 =	vadd.s32 v54, v55;
	v32 =	vsel vm8, $0x2, v0  }
0xad: {  	v32 =	vadd.s32 v54, v32;
	_ =	sdelay $0x3  }
0xae: {  	v31 =	vld.idx.msk [tilespmem:v31+s8+$0x0], $0xffff  }
0xaf: {  	v32 =	vld.idx.msk [tilespmem:v32+s8+$0x0], $0xffff;
	_ =	sdelay $0x4  }
0xb0: {  	vm9 =	veq.s32 v31, v32  }
0xb1: {  	v32 =	vnsel vm9, $0x7FFFFFFF, v7  }
0xb2: {  	(xrf0) =	vmax.scan.msk.u32 $0xffff, v32  }
0xb3: {  	v56 =	vsel vm9, $0x0, v31  }
0xb4: {  	(xrf0) =	vadd.scan.msk.s32 $0xffff, v56;
	_ =	sdelay $0x3  }
0xb5: {  	v57, _, _ =	vpop (xrf0)  }
0xb6: {  	v33 =	vxor.u32 $0x80000000, v57  }
0xb7: {  	v32, _, _ =	vpop (xrf0);
	[tilespmem:$0x4B40] =	vst v33  }
0xb8: {  	[tilespmem:$0x4BC0] =	vst v32  }
0xb9: {  	v58 =	vld [tilespmem:s14+$0xFFFFFF80]  }
0xba: {  	v59 =	vld [tilespmem:s14+$0xFFFFFF7F]  }
0xbb: {  	v60 =	vld [tilespmem:s14+$0x11]  }
0xbc: {  	v61 =	vld [tilespmem:s14+$0xFFFFFF81]  }
0xbd: {  	v62 =	vld [tilespmem:s14+$0xA0]  }
0xbe: {  	v63 =	vld [tilespmem:s14+$0xA1]  }
0xbf: {  	v40 =	vld [tilespmem:s14+$0x9F]  }
0xc0: {  	v41 =	vadd.f32 v60, v58;
	_ =	sdelay $0x1  }
0xc1: {  	v42 =	vld [tilespmem:s14+$0x10];
	v37 =	vmul.f32 v61, v58;
	v41 =	vadd.f32 v62, v41  }
0xc2: {  	v39 =	vmul.f32 v63, v62;
	v34 =	vmul.f32 v59, v58  }
0xc3: {  	v40 =	vmul.f32 v40, v62;
	v37 =	vmul.f32 v60, v37;
	v41 =	vsub.f32 $1.000000000e+00, v41;
	_ =	sdelay $0x1  }
0xc4: {  	v36 =	vmul.f32 v39, v60;
	v34 =	vadd.f32 v40, v34;
	v37 =	vadd.f32 v41, v37  }
0xc5: {  	v41 =	vsub.f32 $1.000000000e+00, v42  }
0xc6: {  	v34 =	vadd.f32 $-1.000000000e+00, v34;
	v36 =	vadd.f32 v36, v37  }
0xc7: {  	v35 =	vsub.f32 v41, v42  }
0xc8: {  	v43 =	vtrunc.f32 v42;
	v34 =	vadd.f32 v36, v34  }
0xc9: {  	v44 =	vcvt.f32.s32 v43;
	vm10 =	veq.f32 v36, v35  }
0xca: {  	v45 =	vsel vm10, $0x2, v0;
	vm11 =	veq.f32 v34, v35  }
0xcb: {  	v34 =	vadd.s32 v44, v45;
	v35 =	vsel vm11, $0x2, v0  }
0xcc: {  	v35 =	vadd.s32 v44, v35;
	_ =	sdelay $0x3  }
0xcd: {  	v34 =	vld.idx.msk [tilespmem:v34+s8+$0x0], $0xffff  }
0xce: {  	v35 =	vld.idx.msk [tilespmem:v35+s8+$0x0], $0xffff;
	_ =	sdelay $0x4  }
0xcf: {  	vm12 =	veq.s32 v34, v35  }
0xd0: {  	v35 =	vnsel vm12, $0x7FFFFFFF, v8  }
0xd1: {  	(xrf0) =	vmax.scan.msk.u32 $0xffff, v35  }
0xd2: {  	v46 =	vsel vm12, $0x0, v34  }
0xd3: {  	(xrf0) =	vadd.scan.msk.s32 $0xffff, v46;
	_ =	sdelay $0x3  }
0xd4: {  	v47, _, _ =	vpop (xrf0)  }
0xd5: {  	v36 =	vxor.u32 $0x80000000, v47  }
0xd6: {  	v35, _, _ =	vpop (xrf0);
	[tilespmem:$0x4B50] =	vst v36  }
0xd7: {  	[tilespmem:$0x4BD0] =	vst v35  }
0xd8: {  	v48 =	vld [tilespmem:s14+$0xFFFFFF90]  }
0xd9: {  	v49 =	vld [tilespmem:s14+$0xFFFFFF8F]  }
0xda: {  	v50 =	vld [tilespmem:s14+$0x21]  }
0xdb: {  	v51 =	vld [tilespmem:s14+$0xFFFFFF91]  }
0xdc: {  	v52 =	vld [tilespmem:s14+$0xB0]  }
0xdd: {  	v53 =	vld [tilespmem:s14+$0xB1]  }
0xde: {  	v43 =	vld [tilespmem:s14+$0xAF]  }
0xdf: {  	v44 =	vadd.f32 v50, v48;
	_ =	sdelay $0x1  }
0xe0: {  	v45 =	vld [tilespmem:s14+$0x20];
	v40 =	vmul.f32 v51, v48;
	v44 =	vadd.f32 v52, v44  }
0xe1: {  	v42 =	vmul.f32 v53, v52;
	v37 =	vmul.f32 v49, v48  }
0xe2: {  	v54 =	vmul.f32 v43, v52;
	v40 =	vmul.f32 v50, v40;
	v44 =	vsub.f32 $1.000000000e+00, v44;
	_ =	sdelay $0x1  }
0xe3: {  	v39 =	vmul.f32 v42, v50;
	v37 =	vadd.f32 v54, v37;
	v40 =	vadd.f32 v44, v40  }
0xe4: {  	v55 =	vsub.f32 $1.000000000e+00, v45  }
0xe5: {  	v37 =	vadd.f32 $-1.000000000e+00, v37;
	v39 =	vadd.f32 v39, v40  }
0xe6: {  	v38 =	vsub.f32 v55, v45  }
0xe7: {  	v56 =	vtrunc.f32 v45;
	v37 =	vadd.f32 v39, v37  }
0xe8: {  	v57 =	vcvt.f32.s32 v56;
	vm13 =	veq.f32 v39, v38  }
0xe9: {  	v58 =	vsel vm13, $0x2, v0;
	vm14 =	veq.f32 v37, v38  }
0xea: {  	v37 =	vadd.s32 v57, v58;
	v38 =	vsel vm14, $0x2, v0  }
0xeb: {  	v38 =	vadd.s32 v57, v38;
	_ =	sdelay $0x3  }
0xec: {  	v37 =	vld.idx.msk [tilespmem:v37+s8+$0x0], $0xffff  }
0xed: {  	v38 =	vld.idx.msk [tilespmem:v38+s8+$0x0], $0xffff;
	_ =	sdelay $0x4  }
0xee: {  	vm15 =	veq.s32 v37, v38  }
0xef: {  	v38 =	vnsel vm15, $0x7FFFFFFF, v9  }
0xf0: {  	(xrf0) =	vmax.scan.msk.u32 $0xffff, v38  }
0xf1: {  	v59 =	vsel vm15, $0x0, v37  }
0xf2: {  	(xrf0) =	vadd.scan.msk.s32 $0xffff, v59;
	_ =	sdelay $0x3  }
0xf3: {  	v60, _, _ =	vpop (xrf0)  }
0xf4: {  	v39 =	vxor.u32 $0x80000000, v60  }
0xf5: {  	v38, _, _ =	vpop (xrf0);
	[tilespmem:$0x4B60] =	vst v39  }
0xf6: {  	[tilespmem:$0x4BE0] =	vst v38  }
0xf7: {  	v61 =	vld [tilespmem:s14+$0xFFFFFFA0]  }
0xf8: {  	v62 =	vld [tilespmem:s14+$0xFFFFFF9F]  }
0xf9: {  	v63 =	vld [tilespmem:s14+$0x31]  }
0xfa: {  	v51 =	vld [tilespmem:s14+$0xFFFFFFA1]  }
0xfb: {  	v52 =	vld [tilespmem:s14+$0xC0]  }
0xfc: {  	v53 =	vld [tilespmem:s14+$0xC1]  }
0xfd: {  	v46 =	vld [tilespmem:s15+$0x100]  }
0xfe: {  	v47 =	vadd.f32 v63, v61;
	_ =	sdelay $0x1  }
0xff: {  	v48 =	vld [tilespmem:s14+$0x30];
	v43 =	vmul.f32 v51, v61;
	v47 =	vadd.f32 v52, v47  }
0x100: {  	v45 =	vmul.f32 v53, v52;
	v40 =	vmul.f32 v62, v61  }
0x101: {  	v54 =	vmul.f32 v46, v52;
	v43 =	vmul.f32 v63, v43;
	v47 =	vsub.f32 $1.000000000e+00, v47;
	_ =	sdelay $0x1  }
0x102: {  	v42 =	vmul.f32 v45, v63;
	v40 =	vadd.f32 v54, v40;
	v43 =	vadd.f32 v47, v43  }
0x103: {  	v55 =	vsub.f32 $1.000000000e+00, v48  }
0x104: {  	v40 =	vadd.f32 $-1.000000000e+00, v40;
	v42 =	vadd.f32 v42, v43  }
0x105: {  	v41 =	vsub.f32 v55, v48  }
0x106: {  	v56 =	vtrunc.f32 v48;
	v40 =	vadd.f32 v42, v40  }
0x107: {  	v57 =	vcvt.f32.s32 v56;
	vm4 =	veq.f32 v42, v41  }
0x108: {  	v58 =	vsel vm4, $0x2, v0;
	vm5 =	veq.f32 v40, v41  }
0x109: {  	v40 =	vadd.s32 v57, v58;
	v41 =	vsel vm5, $0x2, v0  }
0x10a: {  	v41 =	vadd.s32 v57, v41;
	_ =	sdelay $0x3  }
0x10b: {  	v40 =	vld.idx.msk [tilespmem:v40+s8+$0x0], $0xffff  }
0x10c: {  	v41 =	vld.idx.msk [tilespmem:v41+s8+$0x0], $0xffff;
	_ =	sdelay $0x4  }
0x10d: {  	vm6 =	veq.s32 v40, v41  }
0x10e: {  	v41 =	vnsel vm6, $0x7FFFFFFF, v10  }
0x10f: {  	(xrf0) =	vmax.scan.msk.u32 $0xffff, v41  }
0x110: {  	v59 =	vsel vm6, $0x0, v40  }
0x111: {  	(xrf0) =	vadd.scan.msk.s32 $0xffff, v59;
	_ =	sdelay $0x3  }
0x112: {  	v60, _, _ =	vpop (xrf0)  }
0x113: {  	v41 =	vxor.u32 $0x80000000, v60  }
0x114: {  	v42, _, _ =	vpop (xrf0);
	[tilespmem:$0x4B70] =	vst v41  }
0x115: {  	[tilespmem:$0x4BF0] =	vst v42  }
0x116: {  	v61 =	vld.idx.msk [tilespmem:v11+s9+$0x0], $0xffff;
	_ =	sdelay $0x4  }
0x117: {  	v62 =	vld.idx.msk [tilespmem:v11+s10+$0x0], $0xffff;
	v43 =	vxor.u32 $0x80000000, v61  }
0x118: {  	(xrf0) =	vmax.scan.msk.u32 $0xffff, v43;
	_ =	sdelay $0x3  }
0x119: {  	(xrf0) =	vadd.scan.msk.s32 $0xffff, v62;
	_ =	sdelay $0x1  }
0x11a: {  	v43, _, _ =	vpop (xrf0)  }
0x11b: {  	v43 =	vxor.u32 $0x80000000, v43  }
0x11c: {  	v43 =	vperm.xlane v43, v12  }
0x11d: {  	vm7 =	veq.s32 v2, $0x0  }
0x11e: {  	v44, _, _ =	vpop (xrf0);
	v43 =	vsel vm7, $0xFFFFFFFF, v43  }
0x11f: {  	v44 =	vperm.xlane v44, v12;
	v63 =	vperm.xlane v43, v0;
	_ =	sdelay $0x1  }
0x120: {  	v44 =	vsel vm7, $0x0, v44;
	vm8 =	vgt.s32 v21, v63  }
0x121: {  	v48 =	vperm.xlane v44, v0;
	v21 =	vsel vm8, v21, v63  }
0x122: {  	v21 =	vadd.s32 $0x1, v21  }
0x123: {  	v20 =	vadd.s32 v20, v48  }
0x124: {  	v20 =	vand.u32 $0x1, v20  }
0x125: {  	v19 =	vxor.u32 v19, v20  }
0x126: {  	[tilespmem:$0x4A01] =	vst v19  }
0x127: {  	v19 =	vld.idx.msk [tilespmem:v21+s11+$0x0], $0xffff  }
0x128: {  	v49 =	vperm.xlane v43, v13;
	_ =	sdelay $0x1  }
0x129: {  	vm9 =	vgt.s32 v24, v49  }
0x12a: {  	v50 =	vperm.xlane v44, v13;
	v21 =	vsel vm9, v24, v49  }
0x12b: {  	v19 =	vxor.u32 v20, v19;
	v20 =	vadd.s32 $0x1, v21  }
0x12c: {  	v51 =	vadd.s32 v23, v50;
	v19 =	vcvt.s32.f32 v19  }
0x12d: {  	v21 =	vand.u32 $0x1, v51  }
0x12e: {  	[tilespmem:s14+$0xFFFFFFC0] =	vst v19;
	v19 =	vxor.u32 v22, v21  }
0x12f: {  	[tilespmem:$0x4A11] =	vst v19  }
0x130: {  	v19 =	vld.idx.msk [tilespmem:v20+s11+$0x0], $0xffff  }
0x131: {  	v20 =	vperm.xlane v43, v1;
	_ =	sdelay $0x1  }
0x132: {  	vm10 =	vgt.s32 v27, v20  }
0x133: {  	v52 =	vperm.xlane v44, v1;
	v20 =	vsel vm10, v27, v20  }
0x134: {  	v20 =	vadd.s32 $0x1, v20;
	v19 =	vxor.u32 v21, v19  }
0x135: {  	v53 =	vadd.s32 v26, v52;
	v19 =	vcvt.s32.f32 v19  }
0x136: {  	v21 =	vand.u32 $0x1, v53  }
0x137: {  	[tilespmem:s14+$0xFFFFFFD0] =	vst v19;
	v19 =	vxor.u32 v25, v21  }
0x138: {  	[tilespmem:$0x4A21] =	vst v19  }
0x139: {  	v19 =	vld.idx.msk [tilespmem:v20+s11+$0x0], $0xffff  }
0x13a: {  	v20 =	vperm.xlane v43, v14;
	_ =	sdelay $0x1  }
0x13b: {  	vm11 =	vgt.s32 v30, v20  }
0x13c: {  	v54 =	vperm.xlane v44, v14;
	v20 =	vsel vm11, v30, v20  }
0x13d: {  	v20 =	vadd.s32 $0x1, v20;
	v19 =	vxor.u32 v21, v19  }
0x13e: {  	v55 =	vadd.s32 v29, v54;
	v19 =	vcvt.s32.f32 v19  }
0x13f: {  	v21 =	vand.u32 $0x1, v55  }
0x140: {  	[tilespmem:s14+$0xFFFFFFE0] =	vst v19;
	v19 =	vxor.u32 v28, v21  }
0x141: {  	[tilespmem:$0x4A31] =	vst v19  }
0x142: {  	v19 =	vld.idx.msk [tilespmem:v20+s11+$0x0], $0xffff  }
0x143: {  	v20 =	vperm.xlane v43, v15;
	_ =	sdelay $0x1  }
0x144: {  	vm12 =	vgt.s32 v33, v20  }
0x145: {  	v56 =	vperm.xlane v44, v15;
	v20 =	vsel vm12, v33, v20  }
0x146: {  	v20 =	vadd.s32 $0x1, v20;
	v19 =	vxor.u32 v21, v19  }
0x147: {  	v57 =	vadd.s32 v32, v56;
	v19 =	vcvt.s32.f32 v19  }
0x148: {  	v21 =	vand.u32 $0x1, v57  }
0x149: {  	[tilespmem:s14+$0xFFFFFFF0] =	vst v19;
	v19 =	vxor.u32 v31, v21  }
0x14a: {  	[tilespmem:$0x4A41] =	vst v19  }
0x14b: {  	v19 =	vld.idx.msk [tilespmem:v20+s11+$0x0], $0xffff  }
0x14c: {  	v20 =	vperm.xlane v43, v16;
	_ =	sdelay $0x1  }
0x14d: {  	vm13 =	vgt.s32 v36, v20  }
0x14e: {  	v58 =	vperm.xlane v44, v16;
	v20 =	vsel vm13, v36, v20  }
0x14f: {  	v20 =	vadd.s32 $0x1, v20;
	v19 =	vxor.u32 v21, v19  }
0x150: {  	v59 =	vadd.s32 v35, v58;
	v19 =	vcvt.s32.f32 v19  }
0x151: {  	v21 =	vand.u32 $0x1, v59  }
0x152: {  	[tilespmem:s14+$0x0] =	vst v19;
	v19 =	vxor.u32 v34, v21  }
0x153: {  	[tilespmem:$0x4A51] =	vst v19  }
0x154: {  	v19 =	vld.idx.msk [tilespmem:v20+s11+$0x0], $0xffff  }
0x155: {  	v20 =	vperm.xlane v43, v17;
	_ =	sdelay $0x1  }
0x156: {  	vm14 =	vgt.s32 v39, v20  }
0x157: {  	v60 =	vperm.xlane v44, v17;
	v20 =	vsel vm14, v39, v20  }
0x158: {  	v20 =	vadd.s32 $0x1, v20;
	v19 =	vxor.u32 v21, v19  }
0x159: {  	v61 =	vadd.s32 v38, v60;
	v19 =	vcvt.s32.f32 v19  }
0x15a: {  	v21 =	vand.u32 $0x1, v61  }
0x15b: {  	[tilespmem:s14+$0x10] =	vst v19;
	v19 =	vxor.u32 v37, v21  }
0x15c: {  	[tilespmem:$0x4A61] =	vst v19  }
0x15d: {  	v19 =	vld.idx.msk [tilespmem:v20+s11+$0x0], $0xffff  }
0x15e: {  	v20 =	vperm.xlane v43, v18;
	_ =	sdelay $0x1  }
0x15f: {  	vm15 =	vgt.s32 v41, v20  }
0x160: {  	v62 =	vperm.xlane v44, v18;
	v20 =	vsel vm15, v41, v20  }
0x161: {  	v20 =	vadd.s32 $0x1, v20;
	v19 =	vxor.u32 v21, v19  }
0x162: {  	v63 =	vadd.s32 v42, v62;
	v19 =	vcvt.s32.f32 v19  }
0x163: {  	v21 =	vand.u32 $0x1, v63  }
0x164: {  	[tilespmem:s14+$0x20] =	vst v19;
	v19 =	vxor.u32 v40, v21  }
0x165: {  	[tilespmem:$0x4A71] =	vst v19  }
0x166: {  	v19 =	vld.idx.msk [tilespmem:v20+s11+$0x0], $0xffff;
	_ =	sdelay $0x2  }
0x167: {  	p0 =	sne.s32 s13, $0x4800  }
.Ltmp1:
0x168: {  	_ = 	snop;
	(pc) =	sbr.rel @p0 .LBB2_3-.Ltmp1, $4  }
0x169: {  	v19 =	vxor.u32 v21, v19  }
0x16a: {  	v19 =	vcvt.s32.f32 v19  }
0x16b: {  	s31 =	sadd.s32 $0x90, s14  }
0x16c: {  	s13 =	sadd.s32 $0x90, s13;
	[tilespmem:s14+$0x30] =	vst v19;
	s14 =	smov.u32 s31  }
0x16d: {  	s12 =	sadd.s32 $0x1, s12  }
0x16e: {  	p0 =	sne.s32 s12, s5  }
.Ltmp2:
0x16f: {  	_ = 	snop;
	(pc) =	sbr.rel @p0 .LBB2_2-.Ltmp2, $4  }
0x170: {  	[hbm4b:s4+s6] =	stream.linear.scatter [tilespmem:s6], [sflag:$0x1], $0x4980, $0x38;
	[tilespmem:$0x4C00] =	vst v63  }
0x171: {  	_ =	swait.ge [sflag:s7], $0x4980  }
0x172: {  	[sflag:s7] =	ssyncset.done $0x0  }
0x173: {  	[sflag:s7] =	ssyncadd.s32 $0xFFFFB680  }
.LBB2_5:
0x174: {  	_ =	sfence.sel $0x180000  }
0x175: {  	[bflag:$0x0] =	sbarrier.arrive $0xFFFF  }
0x176: {  	p0 =	sne.s32 s0, $0x0;
	_ =	strace $0x90000047  }
0x177: {  	s0 =	sadd.s32 @!p0 $0x100000, s1;
	[bflag:$0x2] =	sbarrier.arrive $0xFFFF  }
0x178: {  	[sflag:s0] =	ssyncadd.tile.s32 @!p0 $0x1;
	_ =	shalt  }
.Lfunc_end2:
_tile_overlayer_lowered:
.L_overlay_start_2:
0x179: {  	(tag) =	ssettag $0x2  }
0x17a: {  	s0 =	rddreg [dreg:$0x0];
	s2 =	stileid.u32  }
0x17b: {  	s1 =	rddreg [dreg:$0x1];
	p0 =	sne.s32 s2, $0x0  }
0x17c: {  	s3 =	rddreg [dreg:$0x2];
	[bflag:$0x3] =	sbarrier.arrive $0xFFFF;
	s2 =	simm.s32 @!p0 $0x1C01  }
0x17d: {  	[timem:s3], [sflag:s2] =	dma.local @!p0 [hbm:s0], s1  }
0x17e: {  	s0 =	simm.s32 @!p0 $0x1  }
0x17f: {  	_ =	swait.ge @!p0 [sflag:s0], s1  }
0x180: {  	s1 =	ssub.s32 @!p0 $0x0, s1;
	[sflag:s0] =	ssyncset.done @!p0 $0x0  }
0x181: {  	[sflag:s0] =	ssyncadd.s32 @!p0 s1  }
0x182: {  	[bflag:$0x3] =	sbarrier.arrive $0xFFFF  }
0x183: {  	_ =	shalt  }

</sc_bundles>
